<compile_context>
chip_gen: v7x
topology: tpu7x:2x2x1
jax: 0.10.2.dev20260603
libtpu: 0.0.44.dev20260713+nightly
codegen_flags: <defaults>
</compile_context>

<pallas_src>
import functools

import jax
import jax.numpy as jnp
from jax import lax
from jax.experimental import pallas as pl
from jax.experimental.pallas import tpu as pltpu
from jax.experimental.pallas import tpu_sc as plsc

N = 1_000_000
C = 100
N_BINS = 15
RBL = 32768
NB0 = 16
NH0 = NB0 * RBL
NH1 = N - NH0

NC, NS, L = 2, 16, 16
NW = NC * NS


def _stage1_body(xt_ref, lab_ref, out_ref):
    xt = xt_ref[...]
    lab = lab_ref[...]
    e = jnp.exp(xt)
    me = jnp.max(e, axis=0)
    s = jnp.sum(e, axis=0)
    cls = lax.broadcasted_iota(jnp.int32, xt.shape, 0)
    ml = jnp.max(jnp.where(cls == lab[None, :], e, -1.0), axis=0)
    conf = me / s
    out_ref[...] = jnp.where(ml == me, conf, -conf)


def _stage1(xt, labels, nh, boff):
    return pl.pallas_call(
        _stage1_body,
        grid=((nh + RBL - 1) // RBL,),
        in_specs=[
            pl.BlockSpec((C, RBL), lambda i: (0, i + boff)),
            pl.BlockSpec((RBL,), lambda i: (i + boff,)),
        ],
        out_specs=pl.BlockSpec((RBL,), lambda i: (i,)),
        out_shape=jax.ShapeDtypeStruct((nh,), jnp.float32),
    )(xt, labels)


def _make_stage2(nh):
    sz0 = ((nh // NW) // L) * L
    sz1 = nh - (NW - 1) * sz0
    ch0, ch1 = sz0 // L, sz1 // L
    assert sz1 % L == 0 and sz0 % 8 == 0 and ch1 >= ch0 - 64

    def body(sig_hbm, outi_hbm, outf_hbm, sig_v, cnt_v, sc_v):
        w = lax.axis_index("s") * NC + lax.axis_index("c")
        last = w == NW - 1
        start = w * sz0

        @pl.when(jnp.logical_not(last))
        def _():
            pltpu.sync_copy(sig_hbm.at[pl.ds(start, sz0)], sig_v.at[pl.ds(0, sz0)])

        @pl.when(last)
        def _():
            pltpu.sync_copy(sig_hbm.at[pl.ds(start, sz1)], sig_v)

        zeros = jnp.zeros((L,), jnp.float32)
        izeros = jnp.zeros((L,), jnp.int32)
        for r in range(16):
            cnt_v[r] = izeros
            sc_v[r] = zeros

        lane = lax.iota(jnp.int32, L)

        def chunk(i, carry):
            v = sig_v[pl.ds(i * L, L)]
            c = jnp.abs(v)
            pk = jnp.where(v > 0.0, 4097, 1)
            t = c * float(N_BINS)
            ti = t.astype(jnp.int32)
            tf = ti.astype(jnp.float32)
            b = jnp.where(tf == t, ti - 1, ti)
            plsc.addupdate_scatter(cnt_v, [b, lane], pk)
            plsc.addupdate_scatter(sc_v, [b, lane], c)
            return carry

        nmin = min(ch0, ch1)
        lax.fori_loop(0, nmin, chunk, 0, unroll=8)
        if ch0 > nmin:
            @pl.when(jnp.logical_not(last))
            def _():
                lax.fori_loop(nmin, ch0, chunk, 0, unroll=4)
        if ch1 > nmin:
            @pl.when(last)
            def _():
                lax.fori_loop(nmin, ch1, chunk, 0, unroll=4)

        pltpu.sync_copy(cnt_v, outi_hbm.at[w])
        pltpu.sync_copy(sc_v, outf_hbm.at[w])

    mesh = plsc.VectorSubcoreMesh(
        core_axis_name="c", subcore_axis_name="s", num_cores=NC, num_subcores=NS
    )
    return functools.partial(
        pl.kernel,
        out_type=(jax.ShapeDtypeStruct((NW, 16, L), jnp.int32),
                  jax.ShapeDtypeStruct((NW, 16, L), jnp.float32)),
        mesh=mesh,
        scratch_types=[
            pltpu.VMEM((max(sz0, sz1),), jnp.float32),
            pltpu.VMEM((16, L), jnp.int32),
            pltpu.VMEM((16, L), jnp.float32),
        ],
        compiler_params=pltpu.CompilerParams(needs_layout_passes=False),
    )(body)


def _stage3_body(pi0_ref, pf0_ref, pi1_ref, pf1_ref, out_ref):
    pi = pi0_ref[...] + pi1_ref[...]
    pf = pf0_ref[...] + pf1_ref[...]
    cnt3 = (pi & 4095).astype(jnp.float32)
    sa3 = (pi >> 12).astype(jnp.float32)
    cnt = jnp.sum(jnp.sum(cnt3, axis=0), axis=1, keepdims=True)
    sconf = jnp.sum(jnp.sum(pf, axis=0), axis=1, keepdims=True)
    sacc = jnp.sum(jnp.sum(sa3, axis=0), axis=1, keepdims=True)
    safe = jnp.maximum(cnt, 1.0)
    contrib = jnp.abs(sconf / safe - sacc / safe) * (cnt / float(N))
    row = lax.broadcasted_iota(jnp.int32, cnt.shape, 0)
    valid = (cnt > 0.0) & (row < N_BINS)
    out_ref[...] = jnp.sum(jnp.where(valid, contrib, 0.0), keepdims=True)


def _stage3(p0, p1):
    return pl.pallas_call(
        _stage3_body,
        out_shape=jax.ShapeDtypeStruct((1, 1), jnp.float32),
    )(p0[0], p0[1], p1[0], p1[1])


def kernel(logits, labels):
    xt = logits.T
    labels = labels.astype(jnp.int32)
    sig0 = _stage1(xt, labels, NH0, 0)
    parts0 = _make_stage2(NH0)(sig0)
    sig1 = _stage1(xt, labels, NH1, NB0)
    return (parts0[1][:1, 0, 0] + sig1[:1])

# --- scband reference (transcript-rebuilt; emitter-appended) ---
"""Pipeline reference for scband-eceloss-5729486372991 (READ-ONLY COPY).

The authoritative reference and input builder live on the scoring server;
editing this copy changes nothing except your own understanding.
"""

import jax, jax.numpy as jnp
import numpy as np

N_BINS = 15

def setup_inputs(seed: int = 0) -> dict:
    key = jax.random.key(seed)
    k1, k2 = jax.random.split(key)
    logits = jax.random.normal(k1, (1000000, 100), dtype=jnp.float32)
    labels = jax.random.randint(k2, (1000000,), 0, 100, dtype=jnp.int64)
    return {"logits": logits, "labels": labels}

def reference(logits, labels):
    # Faithful one-shot equivalent of update(labels, F) followed by compute().
    probs = jax.nn.softmax(logits, axis=-1)
    confidences = jnp.max(probs, axis=-1)
    predictions = jnp.argmax(probs, axis=-1)
    accuracies = (predictions == labels).astype(jnp.float32)
    n = confidences.shape[0]
    ece = jnp.zeros((1,), dtype=jnp.float32)
    bin_boundaries = jnp.linspace(0.0, 1.0, N_BINS + 1)
    for i in range(N_BINS):
        bin_lower = bin_boundaries[i]
        bin_upper = bin_boundaries[i + 1]
        in_bin = ((confidences > bin_lower) & (confidences <= bin_upper)).astype(jnp.float32)
        prop_in_bin = jnp.mean(in_bin)
        cnt = jnp.sum(in_bin)
        safe_cnt = jnp.maximum(cnt, 1.0)
        accuracy_in_bin = jnp.sum(accuracies * in_bin) / safe_cnt
        avg_confidence_in_bin = jnp.sum(confidences * in_bin) / safe_cnt
        contrib = jnp.abs(avg_confidence_in_bin - accuracy_in_bin) * prop_in_bin
        ece = ece + jnp.where(prop_in_bin > 0.0, contrib, 0.0)
    return ece

if __name__ == "__main__":
    import jax
    _d = setup_inputs()
    print(jax.jit(kernel)(*tuple(_d.values())))

</pallas_src>

<mosaic_0001>
#map = affine_map<(d0, d1) -> (0)>
#map1 = affine_map<(d0, d1) -> (0, 0, 0)>
module attributes {stable_mosaic.version = 14 : i64} {
  func.func @body(%arg0: i32, %arg1: i32, %arg2: memref<524288xf32, #tpu.memory_space<hbm>>, %arg3: memref<32x16x16xi32, #tpu.memory_space<hbm>>, %arg4: memref<32x16x16xf32, #tpu.memory_space<hbm>>, %arg5: memref<16384xf32, #tpu.memory_space<vmem>>, %arg6: memref<16x16xi32, #tpu.memory_space<vmem>>, %arg7: memref<16x16xf32, #tpu.memory_space<vmem>>) attributes {dimension_semantics = [#tpu.dimension_semantics<core_parallel>, #tpu.dimension_semantics<subcore_parallel>], iteration_bounds = array<i64: 2, 16>, scalar_prefetch = 0 : i64, scratch_operands = 3 : i64, tpu.core_type = #tpu.core_type<sc_vector_subcore>, window_params = [{transform_indices = #map}, {transform_indices = #map1}, {transform_indices = #map1}]} {
    %mul3A = arith.constant 2 : i32
    %mul3A_0 = arith.muli %arg1, %mul3A : i32
    %add3A = arith.addi %mul3A_0, %arg0 : i32
    %eq3A = arith.constant 31 : i32
    %eq3A_1 = arith.cmpi eq, %add3A, %eq3A : i32
    %mul3A_2 = arith.constant 16384 : i32
    %mul3A_3 = arith.muli %add3A, %mul3A_2 : i32
    %not3A = arith.constant true
    %not3A_4 = arith.xori %eq3A_1, %not3A : i1
    %convert_element_type3A = arith.extui %not3A_4 : i1 to i32
    %cond3A = arith.constant 0 : i32
    %cond3A_5 = arith.cmpi ne, %convert_element_type3A, %cond3A : i32
    scf.if %cond3A_5 {
      "tpu.region"() ({
        %run_scoped3A = tpu.sem_alloc : memref<!tpu.dma_semaphore, #tpu.memory_space<semaphore_mem>>
        %dma_start3A = arith.constant 0 : i32
        %dma_start3A_144 = tpu.memref_slice %arg5[%dma_start3A] : memref<16384xf32, #tpu.memory_space<vmem>> -> memref<16384xf32, #tpu.memory_space<vmem>>
        %dma_start3A_145 = tpu.memref_slice %arg2[%mul3A_3] : memref<524288xf32, #tpu.memory_space<hbm>> -> memref<16384xf32, #tpu.memory_space<hbm>>
        %dma_start3A_146 = arith.constant 0 : i32
        %dma_start3A_147 = tpu.memref_slice %arg5[%dma_start3A_146] : memref<16384xf32, #tpu.memory_space<vmem>> -> memref<16384xf32, #tpu.memory_space<vmem>>
        %dma_start3A_148 = tpu.memref_slice %arg2[%mul3A_3] : memref<524288xf32, #tpu.memory_space<hbm>> -> memref<16384xf32, #tpu.memory_space<hbm>>
        tpu.enqueue_dma source(%dma_start3A_148 : memref<16384xf32, #tpu.memory_space<hbm>>) target(%dma_start3A_147 : memref<16384xf32, #tpu.memory_space<vmem>>) target_semaphore(%run_scoped3A : memref<!tpu.dma_semaphore, #tpu.memory_space<semaphore_mem>>)
        %dma_wait3A = arith.constant 0 : i32
        %dma_wait3A_149 = tpu.memref_slice %arg5[%dma_wait3A] : memref<16384xf32, #tpu.memory_space<vmem>> -> memref<16384xf32, #tpu.memory_space<vmem>>
        %dma_wait3A_150 = tpu.memref_slice %arg2[%mul3A_3] : memref<524288xf32, #tpu.memory_space<hbm>> -> memref<16384xf32, #tpu.memory_space<hbm>>
        %dma_wait3A_151 = arith.constant 0 : i32
        %dma_wait3A_152 = tpu.memref_slice %arg5[%dma_wait3A_151] : memref<16384xf32, #tpu.memory_space<vmem>> -> memref<16384xf32, #tpu.memory_space<vmem>>
        %dma_wait3A_153 = tpu.memref_slice %arg2[%mul3A_3] : memref<524288xf32, #tpu.memory_space<hbm>> -> memref<16384xf32, #tpu.memory_space<hbm>>
        tpu.wait_dma2 semaphore(%run_scoped3A : memref<!tpu.dma_semaphore, #tpu.memory_space<semaphore_mem>>) src(%dma_wait3A_153 : memref<16384xf32, #tpu.memory_space<hbm>>) dst(%dma_wait3A_152 : memref<16384xf32, #tpu.memory_space<vmem>>)
        tpu.yield
      }) : () -> ()
    } else {
    }
    %convert_element_type3A_6 = arith.extui %eq3A_1 : i1 to i32
    %cond3A_7 = arith.constant 0 : i32
    %cond3A_8 = arith.cmpi ne, %convert_element_type3A_6, %cond3A_7 : i32
    scf.if %cond3A_8 {
      "tpu.region"() ({
        %run_scoped3A = tpu.sem_alloc : memref<!tpu.dma_semaphore, #tpu.memory_space<semaphore_mem>>
        %dma_start3A = tpu.memref_slice %arg2[%mul3A_3] : memref<524288xf32, #tpu.memory_space<hbm>> -> memref<16384xf32, #tpu.memory_space<hbm>>
        %dma_start3A_144 = tpu.memref_slice %arg2[%mul3A_3] : memref<524288xf32, #tpu.memory_space<hbm>> -> memref<16384xf32, #tpu.memory_space<hbm>>
        tpu.enqueue_dma source(%dma_start3A_144 : memref<16384xf32, #tpu.memory_space<hbm>>) target(%arg5 : memref<16384xf32, #tpu.memory_space<vmem>>) target_semaphore(%run_scoped3A : memref<!tpu.dma_semaphore, #tpu.memory_space<semaphore_mem>>)
        %dma_wait3A = tpu.memref_slice %arg2[%mul3A_3] : memref<524288xf32, #tpu.memory_space<hbm>> -> memref<16384xf32, #tpu.memory_space<hbm>>
        %dma_wait3A_145 = tpu.memref_slice %arg2[%mul3A_3] : memref<524288xf32, #tpu.memory_space<hbm>> -> memref<16384xf32, #tpu.memory_space<hbm>>
        tpu.wait_dma2 semaphore(%run_scoped3A : memref<!tpu.dma_semaphore, #tpu.memory_space<semaphore_mem>>) src(%dma_wait3A_145 : memref<16384xf32, #tpu.memory_space<hbm>>) dst(%arg5 : memref<16384xf32, #tpu.memory_space<vmem>>)
        tpu.yield
      }) : () -> ()
    } else {
    }
    %broadcast_in_dim3A = arith.constant 0.000000e+00 : f32
    %broadcast_in_dim3A_9 = vector.broadcast %broadcast_in_dim3A : f32 to vector<16xf32>
    %broadcast_in_dim3A_10 = arith.constant 0 : i32
    %broadcast_in_dim3A_11 = vector.broadcast %broadcast_in_dim3A_10 : i32 to vector<16xi32>
    %swap3A = arith.constant 0 : i32
    %swap3A_12 = arith.index_cast %swap3A : i32 to index
    %swap3A_13 = arith.constant 0 : index
    %swap3A_14 = tpu.vector_load %arg6[%swap3A_12, %swap3A_13] {strides = array<i32>} : memref<16x16xi32, #tpu.memory_space<vmem>>, vector<16xi32>,
    tpu.vector_store %arg6[%swap3A_12, %swap3A_13], %broadcast_in_dim3A_11 {strides = array<i32>} : memref<16x16xi32, #tpu.memory_space<vmem>>, vector<16xi32>,
    %swap3A_15 = arith.constant 0 : i32
    %swap3A_16 = arith.index_cast %swap3A_15 : i32 to index
    %swap3A_17 = arith.constant 0 : index
    %swap3A_18 = tpu.vector_load %arg7[%swap3A_16, %swap3A_17] {strides = array<i32>} : memref<16x16xf32, #tpu.memory_space<vmem>>, vector<16xf32>,
    tpu.vector_store %arg7[%swap3A_16, %swap3A_17], %broadcast_in_dim3A_9 {strides = array<i32>} : memref<16x16xf32, #tpu.memory_space<vmem>>, vector<16xf32>,
    %swap3A_19 = arith.constant 1 : i32
    %swap3A_20 = arith.index_cast %swap3A_19 : i32 to index
    %swap3A_21 = arith.constant 0 : index
    %swap3A_22 = tpu.vector_load %arg6[%swap3A_20, %swap3A_21] {strides = array<i32>} : memref<16x16xi32, #tpu.memory_space<vmem>>, vector<16xi32>,
    tpu.vector_store %arg6[%swap3A_20, %swap3A_21], %broadcast_in_dim3A_11 {strides = array<i32>} : memref<16x16xi32, #tpu.memory_space<vmem>>, vector<16xi32>,
    %swap3A_23 = arith.constant 1 : i32
    %swap3A_24 = arith.index_cast %swap3A_23 : i32 to index
    %swap3A_25 = arith.constant 0 : index
    %swap3A_26 = tpu.vector_load %arg7[%swap3A_24, %swap3A_25] {strides = array<i32>} : memref<16x16xf32, #tpu.memory_space<vmem>>, vector<16xf32>,
    tpu.vector_store %arg7[%swap3A_24, %swap3A_25], %broadcast_in_dim3A_9 {strides = array<i32>} : memref<16x16xf32, #tpu.memory_space<vmem>>, vector<16xf32>,
    %swap3A_27 = arith.constant 2 : i32
    %swap3A_28 = arith.index_cast %swap3A_27 : i32 to index
    %swap3A_29 = arith.constant 0 : index
    %swap3A_30 = tpu.vector_load %arg6[%swap3A_28, %swap3A_29] {strides = array<i32>} : memref<16x16xi32, #tpu.memory_space<vmem>>, vector<16xi32>,
    tpu.vector_store %arg6[%swap3A_28, %swap3A_29], %broadcast_in_dim3A_11 {strides = array<i32>} : memref<16x16xi32, #tpu.memory_space<vmem>>, vector<16xi32>,
    %swap3A_31 = arith.constant 2 : i32
    %swap3A_32 = arith.index_cast %swap3A_31 : i32 to index
    %swap3A_33 = arith.constant 0 : index
    %swap3A_34 = tpu.vector_load %arg7[%swap3A_32, %swap3A_33] {strides = array<i32>} : memref<16x16xf32, #tpu.memory_space<vmem>>, vector<16xf32>,
    tpu.vector_store %arg7[%swap3A_32, %swap3A_33], %broadcast_in_dim3A_9 {strides = array<i32>} : memref<16x16xf32, #tpu.memory_space<vmem>>, vector<16xf32>,
    %swap3A_35 = arith.constant 3 : i32
    %swap3A_36 = arith.index_cast %swap3A_35 : i32 to index
    %swap3A_37 = arith.constant 0 : index
    %swap3A_38 = tpu.vector_load %arg6[%swap3A_36, %swap3A_37] {strides = array<i32>} : memref<16x16xi32, #tpu.memory_space<vmem>>, vector<16xi32>,
    tpu.vector_store %arg6[%swap3A_36, %swap3A_37], %broadcast_in_dim3A_11 {strides = array<i32>} : memref<16x16xi32, #tpu.memory_space<vmem>>, vector<16xi32>,
    %swap3A_39 = arith.constant 3 : i32
    %swap3A_40 = arith.index_cast %swap3A_39 : i32 to index
    %swap3A_41 = arith.constant 0 : index
    %swap3A_42 = tpu.vector_load %arg7[%swap3A_40, %swap3A_41] {strides = array<i32>} : memref<16x16xf32, #tpu.memory_space<vmem>>, vector<16xf32>,
    tpu.vector_store %arg7[%swap3A_40, %swap3A_41], %broadcast_in_dim3A_9 {strides = array<i32>} : memref<16x16xf32, #tpu.memory_space<vmem>>, vector<16xf32>,
    %swap3A_43 = arith.constant 4 : i32
    %swap3A_44 = arith.index_cast %swap3A_43 : i32 to index
    %swap3A_45 = arith.constant 0 : index
    %swap3A_46 = tpu.vector_load %arg6[%swap3A_44, %swap3A_45] {strides = array<i32>} : memref<16x16xi32, #tpu.memory_space<vmem>>, vector<16xi32>,
    tpu.vector_store %arg6[%swap3A_44, %swap3A_45], %broadcast_in_dim3A_11 {strides = array<i32>} : memref<16x16xi32, #tpu.memory_space<vmem>>, vector<16xi32>,
    %swap3A_47 = arith.constant 4 : i32
    %swap3A_48 = arith.index_cast %swap3A_47 : i32 to index
    %swap3A_49 = arith.constant 0 : index
    %swap3A_50 = tpu.vector_load %arg7[%swap3A_48, %swap3A_49] {strides = array<i32>} : memref<16x16xf32, #tpu.memory_space<vmem>>, vector<16xf32>,
    tpu.vector_store %arg7[%swap3A_48, %swap3A_49], %broadcast_in_dim3A_9 {strides = array<i32>} : memref<16x16xf32, #tpu.memory_space<vmem>>, vector<16xf32>,
    %swap3A_51 = arith.constant 5 : i32
    %swap3A_52 = arith.index_cast %swap3A_51 : i32 to index
    %swap3A_53 = arith.constant 0 : index
    %swap3A_54 = tpu.vector_load %arg6[%swap3A_52, %swap3A_53] {strides = array<i32>} : memref<16x16xi32, #tpu.memory_space<vmem>>, vector<16xi32>,
    tpu.vector_store %arg6[%swap3A_52, %swap3A_53], %broadcast_in_dim3A_11 {strides = array<i32>} : memref<16x16xi32, #tpu.memory_space<vmem>>, vector<16xi32>,
    %swap3A_55 = arith.constant 5 : i32
    %swap3A_56 = arith.index_cast %swap3A_55 : i32 to index
    %swap3A_57 = arith.constant 0 : index
    %swap3A_58 = tpu.vector_load %arg7[%swap3A_56, %swap3A_57] {strides = array<i32>} : memref<16x16xf32, #tpu.memory_space<vmem>>, vector<16xf32>,
    tpu.vector_store %arg7[%swap3A_56, %swap3A_57], %broadcast_in_dim3A_9 {strides = array<i32>} : memref<16x16xf32, #tpu.memory_space<vmem>>, vector<16xf32>,
    %swap3A_59 = arith.constant 6 : i32
    %swap3A_60 = arith.index_cast %swap3A_59 : i32 to index
    %swap3A_61 = arith.constant 0 : index
    %swap3A_62 = tpu.vector_load %arg6[%swap3A_60, %swap3A_61] {strides = array<i32>} : memref<16x16xi32, #tpu.memory_space<vmem>>, vector<16xi32>,
    tpu.vector_store %arg6[%swap3A_60, %swap3A_61], %broadcast_in_dim3A_11 {strides = array<i32>} : memref<16x16xi32, #tpu.memory_space<vmem>>, vector<16xi32>,
    %swap3A_63 = arith.constant 6 : i32
    %swap3A_64 = arith.index_cast %swap3A_63 : i32 to index
    %swap3A_65 = arith.constant 0 : index
    %swap3A_66 = tpu.vector_load %arg7[%swap3A_64, %swap3A_65] {strides = array<i32>} : memref<16x16xf32, #tpu.memory_space<vmem>>, vector<16xf32>,
    tpu.vector_store %arg7[%swap3A_64, %swap3A_65], %broadcast_in_dim3A_9 {strides = array<i32>} : memref<16x16xf32, #tpu.memory_space<vmem>>, vector<16xf32>,
    %swap3A_67 = arith.constant 7 : i32
    %swap3A_68 = arith.index_cast %swap3A_67 : i32 to index
    %swap3A_69 = arith.constant 0 : index
    %swap3A_70 = tpu.vector_load %arg6[%swap3A_68, %swap3A_69] {strides = array<i32>} : memref<16x16xi32, #tpu.memory_space<vmem>>, vector<16xi32>,
    tpu.vector_store %arg6[%swap3A_68, %swap3A_69], %broadcast_in_dim3A_11 {strides = array<i32>} : memref<16x16xi32, #tpu.memory_space<vmem>>, vector<16xi32>,
    %swap3A_71 = arith.constant 7 : i32
    %swap3A_72 = arith.index_cast %swap3A_71 : i32 to index
    %swap3A_73 = arith.constant 0 : index
    %swap3A_74 = tpu.vector_load %arg7[%swap3A_72, %swap3A_73] {strides = array<i32>} : memref<16x16xf32, #tpu.memory_space<vmem>>, vector<16xf32>,
    tpu.vector_store %arg7[%swap3A_72, %swap3A_73], %broadcast_in_dim3A_9 {strides = array<i32>} : memref<16x16xf32, #tpu.memory_space<vmem>>, vector<16xf32>,
    %swap3A_75 = arith.constant 8 : i32
    %swap3A_76 = arith.index_cast %swap3A_75 : i32 to index
    %swap3A_77 = arith.constant 0 : index
    %swap3A_78 = tpu.vector_load %arg6[%swap3A_76, %swap3A_77] {strides = array<i32>} : memref<16x16xi32, #tpu.memory_space<vmem>>, vector<16xi32>,
    tpu.vector_store %arg6[%swap3A_76, %swap3A_77], %broadcast_in_dim3A_11 {strides = array<i32>} : memref<16x16xi32, #tpu.memory_space<vmem>>, vector<16xi32>,
    %swap3A_79 = arith.constant 8 : i32
    %swap3A_80 = arith.index_cast %swap3A_79 : i32 to index
    %swap3A_81 = arith.constant 0 : index
    %swap3A_82 = tpu.vector_load %arg7[%swap3A_80, %swap3A_81] {strides = array<i32>} : memref<16x16xf32, #tpu.memory_space<vmem>>, vector<16xf32>,
    tpu.vector_store %arg7[%swap3A_80, %swap3A_81], %broadcast_in_dim3A_9 {strides = array<i32>} : memref<16x16xf32, #tpu.memory_space<vmem>>, vector<16xf32>,
    %swap3A_83 = arith.constant 9 : i32
    %swap3A_84 = arith.index_cast %swap3A_83 : i32 to index
    %swap3A_85 = arith.constant 0 : index
    %swap3A_86 = tpu.vector_load %arg6[%swap3A_84, %swap3A_85] {strides = array<i32>} : memref<16x16xi32, #tpu.memory_space<vmem>>, vector<16xi32>,
    tpu.vector_store %arg6[%swap3A_84, %swap3A_85], %broadcast_in_dim3A_11 {strides = array<i32>} : memref<16x16xi32, #tpu.memory_space<vmem>>, vector<16xi32>,
    %swap3A_87 = arith.constant 9 : i32
    %swap3A_88 = arith.index_cast %swap3A_87 : i32 to index
    %swap3A_89 = arith.constant 0 : index
    %swap3A_90 = tpu.vector_load %arg7[%swap3A_88, %swap3A_89] {strides = array<i32>} : memref<16x16xf32, #tpu.memory_space<vmem>>, vector<16xf32>,
    tpu.vector_store %arg7[%swap3A_88, %swap3A_89], %broadcast_in_dim3A_9 {strides = array<i32>} : memref<16x16xf32, #tpu.memory_space<vmem>>, vector<16xf32>,
    %swap3A_91 = arith.constant 10 : i32
    %swap3A_92 = arith.index_cast %swap3A_91 : i32 to index
    %swap3A_93 = arith.constant 0 : index
    %swap3A_94 = tpu.vector_load %arg6[%swap3A_92, %swap3A_93] {strides = array<i32>} : memref<16x16xi32, #tpu.memory_space<vmem>>, vector<16xi32>,
    tpu.vector_store %arg6[%swap3A_92, %swap3A_93], %broadcast_in_dim3A_11 {strides = array<i32>} : memref<16x16xi32, #tpu.memory_space<vmem>>, vector<16xi32>,
    %swap3A_95 = arith.constant 10 : i32
    %swap3A_96 = arith.index_cast %swap3A_95 : i32 to index
    %swap3A_97 = arith.constant 0 : index
    %swap3A_98 = tpu.vector_load %arg7[%swap3A_96, %swap3A_97] {strides = array<i32>} : memref<16x16xf32, #tpu.memory_space<vmem>>, vector<16xf32>,
    tpu.vector_store %arg7[%swap3A_96, %swap3A_97], %broadcast_in_dim3A_9 {strides = array<i32>} : memref<16x16xf32, #tpu.memory_space<vmem>>, vector<16xf32>,
    %swap3A_99 = arith.constant 11 : i32
    %swap3A_100 = arith.index_cast %swap3A_99 : i32 to index
    %swap3A_101 = arith.constant 0 : index
    %swap3A_102 = tpu.vector_load %arg6[%swap3A_100, %swap3A_101] {strides = array<i32>} : memref<16x16xi32, #tpu.memory_space<vmem>>, vector<16xi32>,
    tpu.vector_store %arg6[%swap3A_100, %swap3A_101], %broadcast_in_dim3A_11 {strides = array<i32>} : memref<16x16xi32, #tpu.memory_space<vmem>>, vector<16xi32>,
    %swap3A_103 = arith.constant 11 : i32
    %swap3A_104 = arith.index_cast %swap3A_103 : i32 to index
    %swap3A_105 = arith.constant 0 : index
    %swap3A_106 = tpu.vector_load %arg7[%swap3A_104, %swap3A_105] {strides = array<i32>} : memref<16x16xf32, #tpu.memory_space<vmem>>, vector<16xf32>,
    tpu.vector_store %arg7[%swap3A_104, %swap3A_105], %broadcast_in_dim3A_9 {strides = array<i32>} : memref<16x16xf32, #tpu.memory_space<vmem>>, vector<16xf32>,
    %swap3A_107 = arith.constant 12 : i32
    %swap3A_108 = arith.index_cast %swap3A_107 : i32 to index
    %swap3A_109 = arith.constant 0 : index
    %swap3A_110 = tpu.vector_load %arg6[%swap3A_108, %swap3A_109] {strides = array<i32>} : memref<16x16xi32, #tpu.memory_space<vmem>>, vector<16xi32>,
    tpu.vector_store %arg6[%swap3A_108, %swap3A_109], %broadcast_in_dim3A_11 {strides = array<i32>} : memref<16x16xi32, #tpu.memory_space<vmem>>, vector<16xi32>,
    %swap3A_111 = arith.constant 12 : i32
    %swap3A_112 = arith.index_cast %swap3A_111 : i32 to index
    %swap3A_113 = arith.constant 0 : index
    %swap3A_114 = tpu.vector_load %arg7[%swap3A_112, %swap3A_113] {strides = array<i32>} : memref<16x16xf32, #tpu.memory_space<vmem>>, vector<16xf32>,
    tpu.vector_store %arg7[%swap3A_112, %swap3A_113], %broadcast_in_dim3A_9 {strides = array<i32>} : memref<16x16xf32, #tpu.memory_space<vmem>>, vector<16xf32>,
    %swap3A_115 = arith.constant 13 : i32
    %swap3A_116 = arith.index_cast %swap3A_115 : i32 to index
    %swap3A_117 = arith.constant 0 : index
    %swap3A_118 = tpu.vector_load %arg6[%swap3A_116, %swap3A_117] {strides = array<i32>} : memref<16x16xi32, #tpu.memory_space<vmem>>, vector<16xi32>,
    tpu.vector_store %arg6[%swap3A_116, %swap3A_117], %broadcast_in_dim3A_11 {strides = array<i32>} : memref<16x16xi32, #tpu.memory_space<vmem>>, vector<16xi32>,
    %swap3A_119 = arith.constant 13 : i32
    %swap3A_120 = arith.index_cast %swap3A_119 : i32 to index
    %swap3A_121 = arith.constant 0 : index
    %swap3A_122 = tpu.vector_load %arg7[%swap3A_120, %swap3A_121] {strides = array<i32>} : memref<16x16xf32, #tpu.memory_space<vmem>>, vector<16xf32>,
    tpu.vector_store %arg7[%swap3A_120, %swap3A_121], %broadcast_in_dim3A_9 {strides = array<i32>} : memref<16x16xf32, #tpu.memory_space<vmem>>, vector<16xf32>,
    %swap3A_123 = arith.constant 14 : i32
    %swap3A_124 = arith.index_cast %swap3A_123 : i32 to index
    %swap3A_125 = arith.constant 0 : index
    %swap3A_126 = tpu.vector_load %arg6[%swap3A_124, %swap3A_125] {strides = array<i32>} : memref<16x16xi32, #tpu.memory_space<vmem>>, vector<16xi32>,
    tpu.vector_store %arg6[%swap3A_124, %swap3A_125], %broadcast_in_dim3A_11 {strides = array<i32>} : memref<16x16xi32, #tpu.memory_space<vmem>>, vector<16xi32>,
    %swap3A_127 = arith.constant 14 : i32
    %swap3A_128 = arith.index_cast %swap3A_127 : i32 to index
    %swap3A_129 = arith.constant 0 : index
    %swap3A_130 = tpu.vector_load %arg7[%swap3A_128, %swap3A_129] {strides = array<i32>} : memref<16x16xf32, #tpu.memory_space<vmem>>, vector<16xf32>,
    tpu.vector_store %arg7[%swap3A_128, %swap3A_129], %broadcast_in_dim3A_9 {strides = array<i32>} : memref<16x16xf32, #tpu.memory_space<vmem>>, vector<16xf32>,
    %swap3A_131 = arith.constant 15 : i32
    %swap3A_132 = arith.index_cast %swap3A_131 : i32 to index
    %swap3A_133 = arith.constant 0 : index
    %swap3A_134 = tpu.vector_load %arg6[%swap3A_132, %swap3A_133] {strides = array<i32>} : memref<16x16xi32, #tpu.memory_space<vmem>>, vector<16xi32>,
    tpu.vector_store %arg6[%swap3A_132, %swap3A_133], %broadcast_in_dim3A_11 {strides = array<i32>} : memref<16x16xi32, #tpu.memory_space<vmem>>, vector<16xi32>,
    %swap3A_135 = arith.constant 15 : i32
    %swap3A_136 = arith.index_cast %swap3A_135 : i32 to index
    %swap3A_137 = arith.constant 0 : index
    %swap3A_138 = tpu.vector_load %arg7[%swap3A_136, %swap3A_137] {strides = array<i32>} : memref<16x16xf32, #tpu.memory_space<vmem>>, vector<16xf32>,
    tpu.vector_store %arg7[%swap3A_136, %swap3A_137], %broadcast_in_dim3A_9 {strides = array<i32>} : memref<16x16xf32, #tpu.memory_space<vmem>>, vector<16xf32>,
    %iota3A = tpu.iota {dimensions = array<i32: 0>} : vector<16xi32>
    %scan3A = arith.constant 0 : i32
    %scan3A_139 = arith.constant 0 : i32
    %scan3A_140 = arith.constant 1024 : i32
    %scan3A_141 = arith.addi %scan3A_139, %scan3A_140 : i32
    %scan3A_142 = arith.constant 8 : i32
    scf.for %scan3A_144 = %scan3A_139 to %scan3A_141 step %scan3A_142  : i32 {
      %mul3A_145 = arith.constant 16 : i32
      %mul3A_146 = arith.muli %scan3A_144, %mul3A_145 : i32
      %get3A = arith.index_cast %mul3A_146 : i32 to index
      %get3A_147 = tpu.vector_load %arg5[%get3A] {strides = array<i32>} : memref<16384xf32, #tpu.memory_space<vmem>>, vector<16xf32>,
      %abs3A = math.absf %get3A_147 : vector<16xf32>
      %gt3A = arith.constant 0.000000e+00 : f32
      %gt3A_148 = vector.broadcast %gt3A : f32 to vector<16xf32>
      %gt3A_149 = arith.cmpf ogt, %get3A_147, %gt3A_148 : vector<16xf32>
      %jit3A = arith.constant 4097 : i32
      %jit3A_150 = arith.constant 1 : i32
      %broadcast_in_dim3A_151 = vector.broadcast %jit3A : i32 to vector<16xi32>
      %broadcast_in_dim3A_152 = vector.broadcast %jit3A_150 : i32 to vector<16xi32>
      %select_n3A = arith.select %gt3A_149, %broadcast_in_dim3A_151, %broadcast_in_dim3A_152 : vector<16xi1>, vector<16xi32>
      %mul3A_153 = arith.constant 1.500000e+01 : f32
      %mul3A_154 = vector.broadcast %mul3A_153 : f32 to vector<16xf32>
      %mul3A_155 = arith.mulf %abs3A, %mul3A_154 : vector<16xf32>
      %convert_element_type3A_156 = arith.fptosi %mul3A_155 : vector<16xf32> to vector<16xi32>
      %convert_element_type3A_157 = arith.sitofp %convert_element_type3A_156 : vector<16xi32> to vector<16xf32>
      %eq3A_158 = arith.cmpf oeq, %convert_element_type3A_157, %mul3A_155 : vector<16xf32>
      %sub3A = arith.constant 1 : i32
      %sub3A_159 = vector.broadcast %sub3A : i32 to vector<16xi32>
      %sub3A_160 = arith.subi %convert_element_type3A_156, %sub3A_159 : vector<16xi32>
      %select_n3A_161 = arith.select %eq3A_158, %sub3A_160, %convert_element_type3A_156 : vector<16xi1>, vector<16xi32>
      tpu.vector_store_idx %arg6[%select_n3A_161, %iota3A], %select_n3A {add = true} : memref<16x16xi32, #tpu.memory_space<vmem>>[vector<16xi32>, vector<16xi32>], vector<16xi32>,
      tpu.vector_store_idx %arg7[%select_n3A_161, %iota3A], %abs3A {add = true} : memref<16x16xf32, #tpu.memory_space<vmem>>[vector<16xi32>, vector<16xi32>], vector<16xf32>,
      %scan3A_162 = arith.constant 1 : i32
      %scan3A_163 = arith.addi %scan3A_144, %scan3A_162 : i32
      %mul3A_164 = arith.constant 16 : i32
      %mul3A_165 = arith.muli %scan3A_163, %mul3A_164 : i32
      %get3A_166 = arith.index_cast %mul3A_165 : i32 to index
      %get3A_167 = tpu.vector_load %arg5[%get3A_166] {strides = array<i32>} : memref<16384xf32, #tpu.memory_space<vmem>>, vector<16xf32>,
      %abs3A_168 = math.absf %get3A_167 : vector<16xf32>
      %gt3A_169 = arith.constant 0.000000e+00 : f32
      %gt3A_170 = vector.broadcast %gt3A_169 : f32 to vector<16xf32>
      %gt3A_171 = arith.cmpf ogt, %get3A_167, %gt3A_170 : vector<16xf32>
      %jit3A_172 = arith.constant 4097 : i32
      %jit3A_173 = arith.constant 1 : i32
      %broadcast_in_dim3A_174 = vector.broadcast %jit3A_172 : i32 to vector<16xi32>
      %broadcast_in_dim3A_175 = vector.broadcast %jit3A_173 : i32 to vector<16xi32>
      %select_n3A_176 = arith.select %gt3A_171, %broadcast_in_dim3A_174, %broadcast_in_dim3A_175 : vector<16xi1>, vector<16xi32>
      %mul3A_177 = arith.constant 1.500000e+01 : f32
      %mul3A_178 = vector.broadcast %mul3A_177 : f32 to vector<16xf32>
      %mul3A_179 = arith.mulf %abs3A_168, %mul3A_178 : vector<16xf32>
      %convert_element_type3A_180 = arith.fptosi %mul3A_179 : vector<16xf32> to vector<16xi32>
      %convert_element_type3A_181 = arith.sitofp %convert_element_type3A_180 : vector<16xi32> to vector<16xf32>
      %eq3A_182 = arith.cmpf oeq, %convert_element_type3A_181, %mul3A_179 : vector<16xf32>
      %sub3A_183 = arith.constant 1 : i32
      %sub3A_184 = vector.broadcast %sub3A_183 : i32 to vector<16xi32>
      %sub3A_185 = arith.subi %convert_element_type3A_180, %sub3A_184 : vector<16xi32>
      %select_n3A_186 = arith.select %eq3A_182, %sub3A_185, %convert_element_type3A_180 : vector<16xi1>, vector<16xi32>
      tpu.vector_store_idx %arg6[%select_n3A_186, %iota3A], %select_n3A_176 {add = true} : memref<16x16xi32, #tpu.memory_space<vmem>>[vector<16xi32>, vector<16xi32>], vector<16xi32>,
      tpu.vector_store_idx %arg7[%select_n3A_186, %iota3A], %abs3A_168 {add = true} : memref<16x16xf32, #tpu.memory_space<vmem>>[vector<16xi32>, vector<16xi32>], vector<16xf32>,
      %scan3A_187 = arith.constant 2 : i32
      %scan3A_188 = arith.addi %scan3A_144, %scan3A_187 : i32
      %mul3A_189 = arith.constant 16 : i32
      %mul3A_190 = arith.muli %scan3A_188, %mul3A_189 : i32
      %get3A_191 = arith.index_cast %mul3A_190 : i32 to index
      %get3A_192 = tpu.vector_load %arg5[%get3A_191] {strides = array<i32>} : memref<16384xf32, #tpu.memory_space<vmem>>, vector<16xf32>,
      %abs3A_193 = math.absf %get3A_192 : vector<16xf32>
      %gt3A_194 = arith.constant 0.000000e+00 : f32
      %gt3A_195 = vector.broadcast %gt3A_194 : f32 to vector<16xf32>
      %gt3A_196 = arith.cmpf ogt, %get3A_192, %gt3A_195 : vector<16xf32>
      %jit3A_197 = arith.constant 4097 : i32
      %jit3A_198 = arith.constant 1 : i32
      %broadcast_in_dim3A_199 = vector.broadcast %jit3A_197 : i32 to vector<16xi32>
      %broadcast_in_dim3A_200 = vector.broadcast %jit3A_198 : i32 to vector<16xi32>
      %select_n3A_201 = arith.select %gt3A_196, %broadcast_in_dim3A_199, %broadcast_in_dim3A_200 : vector<16xi1>, vector<16xi32>
      %mul3A_202 = arith.constant 1.500000e+01 : f32
      %mul3A_203 = vector.broadcast %mul3A_202 : f32 to vector<16xf32>
      %mul3A_204 = arith.mulf %abs3A_193, %mul3A_203 : vector<16xf32>
      %convert_element_type3A_205 = arith.fptosi %mul3A_204 : vector<16xf32> to vector<16xi32>
      %convert_element_type3A_206 = arith.sitofp %convert_element_type3A_205 : vector<16xi32> to vector<16xf32>
      %eq3A_207 = arith.cmpf oeq, %convert_element_type3A_206, %mul3A_204 : vector<16xf32>
      %sub3A_208 = arith.constant 1 : i32
      %sub3A_209 = vector.broadcast %sub3A_208 : i32 to vector<16xi32>
      %sub3A_210 = arith.subi %convert_element_type3A_205, %sub3A_209 : vector<16xi32>
      %select_n3A_211 = arith.select %eq3A_207, %sub3A_210, %convert_element_type3A_205 : vector<16xi1>, vector<16xi32>
      tpu.vector_store_idx %arg6[%select_n3A_211, %iota3A], %select_n3A_201 {add = true} : memref<16x16xi32, #tpu.memory_space<vmem>>[vector<16xi32>, vector<16xi32>], vector<16xi32>,
      tpu.vector_store_idx %arg7[%select_n3A_211, %iota3A], %abs3A_193 {add = true} : memref<16x16xf32, #tpu.memory_space<vmem>>[vector<16xi32>, vector<16xi32>], vector<16xf32>,
      %scan3A_212 = arith.constant 3 : i32
      %scan3A_213 = arith.addi %scan3A_144, %scan3A_212 : i32
      %mul3A_214 = arith.constant 16 : i32
      %mul3A_215 = arith.muli %scan3A_213, %mul3A_214 : i32
      %get3A_216 = arith.index_cast %mul3A_215 : i32 to index
      %get3A_217 = tpu.vector_load %arg5[%get3A_216] {strides = array<i32>} : memref<16384xf32, #tpu.memory_space<vmem>>, vector<16xf32>,
      %abs3A_218 = math.absf %get3A_217 : vector<16xf32>
      %gt3A_219 = arith.constant 0.000000e+00 : f32
      %gt3A_220 = vector.broadcast %gt3A_219 : f32 to vector<16xf32>
      %gt3A_221 = arith.cmpf ogt, %get3A_217, %gt3A_220 : vector<16xf32>
      %jit3A_222 = arith.constant 4097 : i32
      %jit3A_223 = arith.constant 1 : i32
      %broadcast_in_dim3A_224 = vector.broadcast %jit3A_222 : i32 to vector<16xi32>
      %broadcast_in_dim3A_225 = vector.broadcast %jit3A_223 : i32 to vector<16xi32>
      %select_n3A_226 = arith.select %gt3A_221, %broadcast_in_dim3A_224, %broadcast_in_dim3A_225 : vector<16xi1>, vector<16xi32>
      %mul3A_227 = arith.constant 1.500000e+01 : f32
      %mul3A_228 = vector.broadcast %mul3A_227 : f32 to vector<16xf32>
      %mul3A_229 = arith.mulf %abs3A_218, %mul3A_228 : vector<16xf32>
      %convert_element_type3A_230 = arith.fptosi %mul3A_229 : vector<16xf32> to vector<16xi32>
      %convert_element_type3A_231 = arith.sitofp %convert_element_type3A_230 : vector<16xi32> to vector<16xf32>
      %eq3A_232 = arith.cmpf oeq, %convert_element_type3A_231, %mul3A_229 : vector<16xf32>
      %sub3A_233 = arith.constant 1 : i32
      %sub3A_234 = vector.broadcast %sub3A_233 : i32 to vector<16xi32>
      %sub3A_235 = arith.subi %convert_element_type3A_230, %sub3A_234 : vector<16xi32>
      %select_n3A_236 = arith.select %eq3A_232, %sub3A_235, %convert_element_type3A_230 : vector<16xi1>, vector<16xi32>
      tpu.vector_store_idx %arg6[%select_n3A_236, %iota3A], %select_n3A_226 {add = true} : memref<16x16xi32, #tpu.memory_space<vmem>>[vector<16xi32>, vector<16xi32>], vector<16xi32>,
      tpu.vector_store_idx %arg7[%select_n3A_236, %iota3A], %abs3A_218 {add = true} : memref<16x16xf32, #tpu.memory_space<vmem>>[vector<16xi32>, vector<16xi32>], vector<16xf32>,
      %scan3A_237 = arith.constant 4 : i32
      %scan3A_238 = arith.addi %scan3A_144, %scan3A_237 : i32
      %mul3A_239 = arith.constant 16 : i32
      %mul3A_240 = arith.muli %scan3A_238, %mul3A_239 : i32
      %get3A_241 = arith.index_cast %mul3A_240 : i32 to index
      %get3A_242 = tpu.vector_load %arg5[%get3A_241] {strides = array<i32>} : memref<16384xf32, #tpu.memory_space<vmem>>, vector<16xf32>,
      %abs3A_243 = math.absf %get3A_242 : vector<16xf32>
      %gt3A_244 = arith.constant 0.000000e+00 : f32
      %gt3A_245 = vector.broadcast %gt3A_244 : f32 to vector<16xf32>
      %gt3A_246 = arith.cmpf ogt, %get3A_242, %gt3A_245 : vector<16xf32>
      %jit3A_247 = arith.constant 4097 : i32
      %jit3A_248 = arith.constant 1 : i32
      %broadcast_in_dim3A_249 = vector.broadcast %jit3A_247 : i32 to vector<16xi32>
      %broadcast_in_dim3A_250 = vector.broadcast %jit3A_248 : i32 to vector<16xi32>
      %select_n3A_251 = arith.select %gt3A_246, %broadcast_in_dim3A_249, %broadcast_in_dim3A_250 : vector<16xi1>, vector<16xi32>
      %mul3A_252 = arith.constant 1.500000e+01 : f32
      %mul3A_253 = vector.broadcast %mul3A_252 : f32 to vector<16xf32>
      %mul3A_254 = arith.mulf %abs3A_243, %mul3A_253 : vector<16xf32>
      %convert_element_type3A_255 = arith.fptosi %mul3A_254 : vector<16xf32> to vector<16xi32>
      %convert_element_type3A_256 = arith.sitofp %convert_element_type3A_255 : vector<16xi32> to vector<16xf32>
      %eq3A_257 = arith.cmpf oeq, %convert_element_type3A_256, %mul3A_254 : vector<16xf32>
      %sub3A_258 = arith.constant 1 : i32
      %sub3A_259 = vector.broadcast %sub3A_258 : i32 to vector<16xi32>
      %sub3A_260 = arith.subi %convert_element_type3A_255, %sub3A_259 : vector<16xi32>
      %select_n3A_261 = arith.select %eq3A_257, %sub3A_260, %convert_element_type3A_255 : vector<16xi1>, vector<16xi32>
      tpu.vector_store_idx %arg6[%select_n3A_261, %iota3A], %select_n3A_251 {add = true} : memref<16x16xi32, #tpu.memory_space<vmem>>[vector<16xi32>, vector<16xi32>], vector<16xi32>,
      tpu.vector_store_idx %arg7[%select_n3A_261, %iota3A], %abs3A_243 {add = true} : memref<16x16xf32, #tpu.memory_space<vmem>>[vector<16xi32>, vector<16xi32>], vector<16xf32>,
      %scan3A_262 = arith.constant 5 : i32
      %scan3A_263 = arith.addi %scan3A_144, %scan3A_262 : i32
      %mul3A_264 = arith.constant 16 : i32
      %mul3A_265 = arith.muli %scan3A_263, %mul3A_264 : i32
      %get3A_266 = arith.index_cast %mul3A_265 : i32 to index
      %get3A_267 = tpu.vector_load %arg5[%get3A_266] {strides = array<i32>} : memref<16384xf32, #tpu.memory_space<vmem>>, vector<16xf32>,
      %abs3A_268 = math.absf %get3A_267 : vector<16xf32>
      %gt3A_269 = arith.constant 0.000000e+00 : f32
      %gt3A_270 = vector.broadcast %gt3A_269 : f32 to vector<16xf32>
      %gt3A_271 = arith.cmpf ogt, %get3A_267, %gt3A_270 : vector<16xf32>
      %jit3A_272 = arith.constant 4097 : i32
      %jit3A_273 = arith.constant 1 : i32
      %broadcast_in_dim3A_274 = vector.broadcast %jit3A_272 : i32 to vector<16xi32>
      %broadcast_in_dim3A_275 = vector.broadcast %jit3A_273 : i32 to vector<16xi32>
      %select_n3A_276 = arith.select %gt3A_271, %broadcast_in_dim3A_274, %broadcast_in_dim3A_275 : vector<16xi1>, vector<16xi32>
      %mul3A_277 = arith.constant 1.500000e+01 : f32
      %mul3A_278 = vector.broadcast %mul3A_277 : f32 to vector<16xf32>
      %mul3A_279 = arith.mulf %abs3A_268, %mul3A_278 : vector<16xf32>
      %convert_element_type3A_280 = arith.fptosi %mul3A_279 : vector<16xf32> to vector<16xi32>
      %convert_element_type3A_281 = arith.sitofp %convert_element_type3A_280 : vector<16xi32> to vector<16xf32>
      %eq3A_282 = arith.cmpf oeq, %convert_element_type3A_281, %mul3A_279 : vector<16xf32>
      %sub3A_283 = arith.constant 1 : i32
      %sub3A_284 = vector.broadcast %sub3A_283 : i32 to vector<16xi32>
      %sub3A_285 = arith.subi %convert_element_type3A_280, %sub3A_284 : vector<16xi32>
      %select_n3A_286 = arith.select %eq3A_282, %sub3A_285, %convert_element_type3A_280 : vector<16xi1>, vector<16xi32>
      tpu.vector_store_idx %arg6[%select_n3A_286, %iota3A], %select_n3A_276 {add = true} : memref<16x16xi32, #tpu.memory_space<vmem>>[vector<16xi32>, vector<16xi32>], vector<16xi32>,
      tpu.vector_store_idx %arg7[%select_n3A_286, %iota3A], %abs3A_268 {add = true} : memref<16x16xf32, #tpu.memory_space<vmem>>[vector<16xi32>, vector<16xi32>], vector<16xf32>,
      %scan3A_287 = arith.constant 6 : i32
      %scan3A_288 = arith.addi %scan3A_144, %scan3A_287 : i32
      %mul3A_289 = arith.constant 16 : i32
      %mul3A_290 = arith.muli %scan3A_288, %mul3A_289 : i32
      %get3A_291 = arith.index_cast %mul3A_290 : i32 to index
      %get3A_292 = tpu.vector_load %arg5[%get3A_291] {strides = array<i32>} : memref<16384xf32, #tpu.memory_space<vmem>>, vector<16xf32>,
      %abs3A_293 = math.absf %get3A_292 : vector<16xf32>
      %gt3A_294 = arith.constant 0.000000e+00 : f32
      %gt3A_295 = vector.broadcast %gt3A_294 : f32 to vector<16xf32>
      %gt3A_296 = arith.cmpf ogt, %get3A_292, %gt3A_295 : vector<16xf32>
      %jit3A_297 = arith.constant 4097 : i32
      %jit3A_298 = arith.constant 1 : i32
      %broadcast_in_dim3A_299 = vector.broadcast %jit3A_297 : i32 to vector<16xi32>
      %broadcast_in_dim3A_300 = vector.broadcast %jit3A_298 : i32 to vector<16xi32>
      %select_n3A_301 = arith.select %gt3A_296, %broadcast_in_dim3A_299, %broadcast_in_dim3A_300 : vector<16xi1>, vector<16xi32>
      %mul3A_302 = arith.constant 1.500000e+01 : f32
      %mul3A_303 = vector.broadcast %mul3A_302 : f32 to vector<16xf32>
      %mul3A_304 = arith.mulf %abs3A_293, %mul3A_303 : vector<16xf32>
      %convert_element_type3A_305 = arith.fptosi %mul3A_304 : vector<16xf32> to vector<16xi32>
      %convert_element_type3A_306 = arith.sitofp %convert_element_type3A_305 : vector<16xi32> to vector<16xf32>
      %eq3A_307 = arith.cmpf oeq, %convert_element_type3A_306, %mul3A_304 : vector<16xf32>
      %sub3A_308 = arith.constant 1 : i32
      %sub3A_309 = vector.broadcast %sub3A_308 : i32 to vector<16xi32>
      %sub3A_310 = arith.subi %convert_element_type3A_305, %sub3A_309 : vector<16xi32>
      %select_n3A_311 = arith.select %eq3A_307, %sub3A_310, %convert_element_type3A_305 : vector<16xi1>, vector<16xi32>
      tpu.vector_store_idx %arg6[%select_n3A_311, %iota3A], %select_n3A_301 {add = true} : memref<16x16xi32, #tpu.memory_space<vmem>>[vector<16xi32>, vector<16xi32>], vector<16xi32>,
      tpu.vector_store_idx %arg7[%select_n3A_311, %iota3A], %abs3A_293 {add = true} : memref<16x16xf32, #tpu.memory_space<vmem>>[vector<16xi32>, vector<16xi32>], vector<16xf32>,
      %scan3A_312 = arith.constant 7 : i32
      %scan3A_313 = arith.addi %scan3A_144, %scan3A_312 : i32
      %mul3A_314 = arith.constant 16 : i32
      %mul3A_315 = arith.muli %scan3A_313, %mul3A_314 : i32
      %get3A_316 = arith.index_cast %mul3A_315 : i32 to index
      %get3A_317 = tpu.vector_load %arg5[%get3A_316] {strides = array<i32>} : memref<16384xf32, #tpu.memory_space<vmem>>, vector<16xf32>,
      %abs3A_318 = math.absf %get3A_317 : vector<16xf32>
      %gt3A_319 = arith.constant 0.000000e+00 : f32
      %gt3A_320 = vector.broadcast %gt3A_319 : f32 to vector<16xf32>
      %gt3A_321 = arith.cmpf ogt, %get3A_317, %gt3A_320 : vector<16xf32>
      %jit3A_322 = arith.constant 4097 : i32
      %jit3A_323 = arith.constant 1 : i32
      %broadcast_in_dim3A_324 = vector.broadcast %jit3A_322 : i32 to vector<16xi32>
      %broadcast_in_dim3A_325 = vector.broadcast %jit3A_323 : i32 to vector<16xi32>
      %select_n3A_326 = arith.select %gt3A_321, %broadcast_in_dim3A_324, %broadcast_in_dim3A_325 : vector<16xi1>, vector<16xi32>
      %mul3A_327 = arith.constant 1.500000e+01 : f32
      %mul3A_328 = vector.broadcast %mul3A_327 : f32 to vector<16xf32>
      %mul3A_329 = arith.mulf %abs3A_318, %mul3A_328 : vector<16xf32>
      %convert_element_type3A_330 = arith.fptosi %mul3A_329 : vector<16xf32> to vector<16xi32>
      %convert_element_type3A_331 = arith.sitofp %convert_element_type3A_330 : vector<16xi32> to vector<16xf32>
      %eq3A_332 = arith.cmpf oeq, %convert_element_type3A_331, %mul3A_329 : vector<16xf32>
      %sub3A_333 = arith.constant 1 : i32
      %sub3A_334 = vector.broadcast %sub3A_333 : i32 to vector<16xi32>
      %sub3A_335 = arith.subi %convert_element_type3A_330, %sub3A_334 : vector<16xi32>
      %select_n3A_336 = arith.select %eq3A_332, %sub3A_335, %convert_element_type3A_330 : vector<16xi1>, vector<16xi32>
      tpu.vector_store_idx %arg6[%select_n3A_336, %iota3A], %select_n3A_326 {add = true} : memref<16x16xi32, #tpu.memory_space<vmem>>[vector<16xi32>, vector<16xi32>], vector<16xi32>,
      tpu.vector_store_idx %arg7[%select_n3A_336, %iota3A], %abs3A_318 {add = true} : memref<16x16xf32, #tpu.memory_space<vmem>>[vector<16xi32>, vector<16xi32>], vector<16xf32>,
    }
    %scan3A_143 = arith.constant 1024 : i32
    "tpu.region"() ({
      %run_scoped3A = tpu.sem_alloc : memref<!tpu.dma_semaphore, #tpu.memory_space<semaphore_mem>>
      %dma_start3A = arith.constant 0 : i32
      %dma_start3A_144 = arith.constant 0 : i32
      %dma_start3A_145 = tpu.memref_slice %arg3[%add3A, %dma_start3A, %dma_start3A_144] : memref<32x16x16xi32, #tpu.memory_space<hbm>> -> memref<1x16x16xi32, #tpu.memory_space<hbm>>
      %dma_start3A_146 = tpu.memref_squeeze %dma_start3A_145 : memref<1x16x16xi32, #tpu.memory_space<hbm>> -> memref<16x16xi32, #tpu.memory_space<hbm>>
      %dma_start3A_147 = arith.constant 0 : i32
      %dma_start3A_148 = arith.constant 0 : i32
      %dma_start3A_149 = tpu.memref_slice %arg3[%add3A, %dma_start3A_147, %dma_start3A_148] : memref<32x16x16xi32, #tpu.memory_space<hbm>> -> memref<1x16x16xi32, #tpu.memory_space<hbm>>
      %dma_start3A_150 = tpu.memref_squeeze %dma_start3A_149 : memref<1x16x16xi32, #tpu.memory_space<hbm>> -> memref<16x16xi32, #tpu.memory_space<hbm>>
      tpu.enqueue_dma source(%arg6 : memref<16x16xi32, #tpu.memory_space<vmem>>) target(%dma_start3A_150 : memref<16x16xi32, #tpu.memory_space<hbm>>) target_semaphore(%run_scoped3A : memref<!tpu.dma_semaphore, #tpu.memory_space<semaphore_mem>>)
      %dma_wait3A = arith.constant 0 : i32
      %dma_wait3A_151 = arith.constant 0 : i32
      %dma_wait3A_152 = tpu.memref_slice %arg3[%add3A, %dma_wait3A, %dma_wait3A_151] : memref<32x16x16xi32, #tpu.memory_space<hbm>> -> memref<1x16x16xi32, #tpu.memory_space<hbm>>
      %dma_wait3A_153 = tpu.memref_squeeze %dma_wait3A_152 : memref<1x16x16xi32, #tpu.memory_space<hbm>> -> memref<16x16xi32, #tpu.memory_space<hbm>>
      %dma_wait3A_154 = arith.constant 0 : i32
      %dma_wait3A_155 = arith.constant 0 : i32
      %dma_wait3A_156 = tpu.memref_slice %arg3[%add3A, %dma_wait3A_154, %dma_wait3A_155] : memref<32x16x16xi32, #tpu.memory_space<hbm>> -> memref<1x16x16xi32, #tpu.memory_space<hbm>>
      %dma_wait3A_157 = tpu.memref_squeeze %dma_wait3A_156 : memref<1x16x16xi32, #tpu.memory_space<hbm>> -> memref<16x16xi32, #tpu.memory_space<hbm>>
      tpu.wait_dma2 semaphore(%run_scoped3A : memref<!tpu.dma_semaphore, #tpu.memory_space<semaphore_mem>>) src(%arg6 : memref<16x16xi32, #tpu.memory_space<vmem>>) dst(%dma_wait3A_157 : memref<16x16xi32, #tpu.memory_space<hbm>>)
      tpu.yield
    }) : () -> ()
    "tpu.region"() ({
      %run_scoped3A = tpu.sem_alloc : memref<!tpu.dma_semaphore, #tpu.memory_space<semaphore_mem>>
      %dma_start3A = arith.constant 0 : i32
      %dma_start3A_144 = arith.constant 0 : i32
      %dma_start3A_145 = tpu.memref_slice %arg4[%add3A, %dma_start3A, %dma_start3A_144] : memref<32x16x16xf32, #tpu.memory_space<hbm>> -> memref<1x16x16xf32, #tpu.memory_space<hbm>>
      %dma_start3A_146 = tpu.memref_squeeze %dma_start3A_145 : memref<1x16x16xf32, #tpu.memory_space<hbm>> -> memref<16x16xf32, #tpu.memory_space<hbm>>
      %dma_start3A_147 = arith.constant 0 : i32
      %dma_start3A_148 = arith.constant 0 : i32
      %dma_start3A_149 = tpu.memref_slice %arg4[%add3A, %dma_start3A_147, %dma_start3A_148] : memref<32x16x16xf32, #tpu.memory_space<hbm>> -> memref<1x16x16xf32, #tpu.memory_space<hbm>>
      %dma_start3A_150 = tpu.memref_squeeze %dma_start3A_149 : memref<1x16x16xf32, #tpu.memory_space<hbm>> -> memref<16x16xf32, #tpu.memory_space<hbm>>
      tpu.enqueue_dma source(%arg7 : memref<16x16xf32, #tpu.memory_space<vmem>>) target(%dma_start3A_150 : memref<16x16xf32, #tpu.memory_space<hbm>>) target_semaphore(%run_scoped3A : memref<!tpu.dma_semaphore, #tpu.memory_space<semaphore_mem>>)
      %dma_wait3A = arith.constant 0 : i32
      %dma_wait3A_151 = arith.constant 0 : i32
      %dma_wait3A_152 = tpu.memref_slice %arg4[%add3A, %dma_wait3A, %dma_wait3A_151] : memref<32x16x16xf32, #tpu.memory_space<hbm>> -> memref<1x16x16xf32, #tpu.memory_space<hbm>>
      %dma_wait3A_153 = tpu.memref_squeeze %dma_wait3A_152 : memref<1x16x16xf32, #tpu.memory_space<hbm>> -> memref<16x16xf32, #tpu.memory_space<hbm>>
      %dma_wait3A_154 = arith.constant 0 : i32
      %dma_wait3A_155 = arith.constant 0 : i32
      %dma_wait3A_156 = tpu.memref_slice %arg4[%add3A, %dma_wait3A_154, %dma_wait3A_155] : memref<32x16x16xf32, #tpu.memory_space<hbm>> -> memref<1x16x16xf32, #tpu.memory_space<hbm>>
      %dma_wait3A_157 = tpu.memref_squeeze %dma_wait3A_156 : memref<1x16x16xf32, #tpu.memory_space<hbm>> -> memref<16x16xf32, #tpu.memory_space<hbm>>
      tpu.wait_dma2 semaphore(%run_scoped3A : memref<!tpu.dma_semaphore, #tpu.memory_space<semaphore_mem>>) src(%arg7 : memref<16x16xf32, #tpu.memory_space<vmem>>) dst(%dma_wait3A_157 : memref<16x16xf32, #tpu.memory_space<hbm>>)
      tpu.yield
    }) : () -> ()
    return
  }
}

module attributes {stable_mosaic.version = 14 : i64} {
  func.func @_stage1_body(%arg0: i32, %arg1: memref<100x32768xf32, #tpu.memory_space<vmem>>, %arg2: memref<32768xi32, #tpu.memory_space<vmem>>, %arg3: memref<32768xf32, #tpu.memory_space<vmem>>) attributes {dimension_semantics = [#tpu.dimension_semantics<arbitrary>], iteration_bounds = array<i64: 15>, scalar_prefetch = 0 : i64, scratch_operands = 0 : i64, tpu.core_type = #tpu.core_type<tc>, window_params = [{transform_indices = @transform_0, window_bounds = array<i64: 100, 32768>}, {transform_indices = @transform_1, window_bounds = array<i64: 32768>}, {transform_indices = @transform_2, window_bounds = array<i64: 32768>}]} {
    %get3A = arith.constant 0 : index
    %get3A_0 = arith.constant 0 : index
    %get3A_1 = vector.load %arg1[%get3A, %get3A_0] : memref<100x32768xf32, #tpu.memory_space<vmem>>, vector<100x32768xf32>
    %get3A_2 = arith.constant 0 : index
    %get3A_3 = vector.load %arg2[%get3A_2] : memref<32768xi32, #tpu.memory_space<vmem>>, vector<32768xi32>
    %exp3A = math.exp %get3A_1 : vector<100x32768xf32>
    %reduce_max3A = arith.constant dense<0xFF800000> : vector<32768xf32>
    %reduce_max3A_4 = vector.multi_reduction <maximumf>, %exp3A, %reduce_max3A [0] : vector<100x32768xf32> to vector<32768xf32>
    %reduce_sum3A = arith.constant dense<0.000000e+00> : vector<32768xf32>
    %reduce_sum3A_5 = vector.multi_reduction <add>, %exp3A, %reduce_sum3A [0] : vector<100x32768xf32> to vector<32768xf32>
    %iota3A = tpu.iota {dimensions = array<i32: 0>} : vector<100x32768xi32>
    %broadcast_in_dim3A = vector.shape_cast %get3A_3 : vector<32768xi32> to vector<1x32768xi32>
    %eq3A = vector.broadcast %broadcast_in_dim3A : vector<1x32768xi32> to vector<100x32768xi32>
    %eq3A_6 = arith.cmpi eq, %iota3A, %eq3A : vector<100x32768xi32>
    %jit3A = arith.constant -1.000000e+00 : f32
    %broadcast_in_dim3A_7 = vector.broadcast %jit3A : f32 to vector<100x32768xf32>
    %select_n3A = arith.select %eq3A_6, %exp3A, %broadcast_in_dim3A_7 : vector<100x32768xi1>, vector<100x32768xf32>
    %reduce_max3A_8 = arith.constant dense<0xFF800000> : vector<32768xf32>
    %reduce_max3A_9 = vector.multi_reduction <maximumf>, %select_n3A, %reduce_max3A_8 [0] : vector<100x32768xf32> to vector<32768xf32>
    %div3A = arith.divf %reduce_max3A_4, %reduce_sum3A_5 : vector<32768xf32>
    %eq3A_10 = arith.cmpf oeq, %reduce_max3A_9, %reduce_max3A_4 : vector<32768xf32>
    %neg3A = arith.constant 0.000000e+00 : f32
    %neg3A_11 = vector.broadcast %neg3A : f32 to vector<32768xf32>
    %neg3A_12 = arith.subf %neg3A_11, %div3A : vector<32768xf32>
    %select_n3A_13 = arith.select %eq3A_10, %div3A, %neg3A_12 : vector<32768xi1>, vector<32768xf32>
    %swap3A = arith.constant 0 : index
    %swap3A_14 = vector.load %arg3[%swap3A] : memref<32768xf32, #tpu.memory_space<vmem>>, vector<32768xf32>
    tpu.vector_store %arg3[%swap3A], %select_n3A_13 {strides = array<i32>} : memref<32768xf32, #tpu.memory_space<vmem>>, vector<32768xf32>,
    return
  }
  func.func @transform_0(%arg0: i32) -> (i32, i32) {
    %add3A = arith.constant 16 : i32
    %add3A_0 = arith.addi %arg0, %add3A : i32
    %c0_i32 = arith.constant 0 : i32
    %c0_i32_1 = arith.constant 0 : i32
    return %c0_i32, %add3A_0 : i32, i32
  }
  func.func @transform_1(%arg0: i32) -> i32 {
    %add3A = arith.constant 16 : i32
    %add3A_0 = arith.addi %arg0, %add3A : i32
    %c0_i32 = arith.constant 0 : i32
    return %add3A_0 : i32
  }
  func.func @transform_2(%arg0: i32) -> i32 {
    %c0_i32 = arith.constant 0 : i32
    return %arg0 : i32
  }
}

module attributes {stable_mosaic.version = 14 : i64} {
  func.func @_stage1_body(%arg0: i32, %arg1: memref<100x32768xf32, #tpu.memory_space<vmem>>, %arg2: memref<32768xi32, #tpu.memory_space<vmem>>, %arg3: memref<32768xf32, #tpu.memory_space<vmem>>) attributes {dimension_semantics = [#tpu.dimension_semantics<arbitrary>], iteration_bounds = array<i64: 16>, scalar_prefetch = 0 : i64, scratch_operands = 0 : i64, tpu.core_type = #tpu.core_type<tc>, window_params = [{transform_indices = @transform_0, window_bounds = array<i64: 100, 32768>}, {transform_indices = @transform_1, window_bounds = array<i64: 32768>}, {transform_indices = @transform_2, window_bounds = array<i64: 32768>}]} {
    %get3A = arith.constant 0 : index
    %get3A_0 = arith.constant 0 : index
    %get3A_1 = vector.load %arg1[%get3A, %get3A_0] : memref<100x32768xf32, #tpu.memory_space<vmem>>, vector<100x32768xf32>
    %get3A_2 = arith.constant 0 : index
    %get3A_3 = vector.load %arg2[%get3A_2] : memref<32768xi32, #tpu.memory_space<vmem>>, vector<32768xi32>
    %exp3A = math.exp %get3A_1 : vector<100x32768xf32>
    %reduce_max3A = arith.constant dense<0xFF800000> : vector<32768xf32>
    %reduce_max3A_4 = vector.multi_reduction <maximumf>, %exp3A, %reduce_max3A [0] : vector<100x32768xf32> to vector<32768xf32>
    %reduce_sum3A = arith.constant dense<0.000000e+00> : vector<32768xf32>
    %reduce_sum3A_5 = vector.multi_reduction <add>, %exp3A, %reduce_sum3A [0] : vector<100x32768xf32> to vector<32768xf32>
    %iota3A = tpu.iota {dimensions = array<i32: 0>} : vector<100x32768xi32>
    %broadcast_in_dim3A = vector.shape_cast %get3A_3 : vector<32768xi32> to vector<1x32768xi32>
    %eq3A = vector.broadcast %broadcast_in_dim3A : vector<1x32768xi32> to vector<100x32768xi32>
    %eq3A_6 = arith.cmpi eq, %iota3A, %eq3A : vector<100x32768xi32>
    %jit3A = arith.constant -1.000000e+00 : f32
    %broadcast_in_dim3A_7 = vector.broadcast %jit3A : f32 to vector<100x32768xf32>
    %select_n3A = arith.select %eq3A_6, %exp3A, %broadcast_in_dim3A_7 : vector<100x32768xi1>, vector<100x32768xf32>
    %reduce_max3A_8 = arith.constant dense<0xFF800000> : vector<32768xf32>
    %reduce_max3A_9 = vector.multi_reduction <maximumf>, %select_n3A, %reduce_max3A_8 [0] : vector<100x32768xf32> to vector<32768xf32>
    %div3A = arith.divf %reduce_max3A_4, %reduce_sum3A_5 : vector<32768xf32>
    %eq3A_10 = arith.cmpf oeq, %reduce_max3A_9, %reduce_max3A_4 : vector<32768xf32>
    %neg3A = arith.constant 0.000000e+00 : f32
    %neg3A_11 = vector.broadcast %neg3A : f32 to vector<32768xf32>
    %neg3A_12 = arith.subf %neg3A_11, %div3A : vector<32768xf32>
    %select_n3A_13 = arith.select %eq3A_10, %div3A, %neg3A_12 : vector<32768xi1>, vector<32768xf32>
    %swap3A = arith.constant 0 : index
    %swap3A_14 = vector.load %arg3[%swap3A] : memref<32768xf32, #tpu.memory_space<vmem>>, vector<32768xf32>
    tpu.vector_store %arg3[%swap3A], %select_n3A_13 {strides = array<i32>} : memref<32768xf32, #tpu.memory_space<vmem>>, vector<32768xf32>,
    return
  }
  func.func @transform_0(%arg0: i32) -> (i32, i32) {
    %add3A = arith.constant 0 : i32
    %add3A_0 = arith.addi %arg0, %add3A : i32
    %c0_i32 = arith.constant 0 : i32
    %c0_i32_1 = arith.constant 0 : i32
    return %c0_i32, %add3A_0 : i32, i32
  }
  func.func @transform_1(%arg0: i32) -> i32 {
    %add3A = arith.constant 0 : i32
    %add3A_0 = arith.addi %arg0, %add3A : i32
    %c0_i32 = arith.constant 0 : i32
    return %add3A_0 : i32
  }
  func.func @transform_2(%arg0: i32) -> i32 {
    %c0_i32 = arith.constant 0 : i32
    return %arg0 : i32
  }
}

</mosaic_0001>

<sc_bundles>
// kernel: kernel.5.cloned.1.call-start
scs
__scs_entry_jumppad:
0x0: {  	(pc) =	sbr.rel $0x88, $3  }
0x1: {  	(tag) =	ssettag $0x0;
	lr =	simm.s32 $0x1  }
0x2: {  	[smem:$0x3F9F] =	sst lr;
	_ =	strace $0xD0000000  }
0x3: {  	_ = 	snop  }
0x4: {  	_ = 	snop  }
0x5: {  	_ = 	snop  }
0x6: {  	_ = 	snop  }
0x7: {  	_ = 	snop  }
__scs_overlays_trampoline_lowered:
0x8: {  	[smem:$0x3FAE] =	sst s0  }
0x9: {  	[smem:$0x3FAF] =	sst s1  }
0xa: {  	[smem:$0x3FB0] =	sst s2  }
0xb: {  	[smem:$0x3FB1] =	sst s3  }
0xc: {  	[smem:$0x3FB2] =	sst s4  }
0xd: {  	[smem:$0x3FB3] =	sst s5  }
0xe: {  	[smem:$0x3FB4] =	sst s6  }
0xf: {  	[smem:$0x3FB5] =	sst s7  }
0x10: {  	[smem:$0x3FB6] =	sst s8  }
0x11: {  	[smem:$0x3FB7] =	sst s9;
	s0 =	simm.s32 @!p0 $0x0  }
0x12: {  	s1 =	sld [smem:$0x3F9D];
	s0 =	simm.s32 @p0 $0x1  }
0x13: {  	[smem:$0x3FB8] =	sst s0;
	s0 =	simm.s32 @!p1 $0x0  }
0x14: {  	s2 =	sld [smem:$0x3F9C];
	s0 =	simm.s32 @p1 $0x1  }
0x15: {  	[smem:$0x3FB9] =	sst s0;
	s0 =	simm.s32 @!p2 $0x0  }
0x16: {  	s3 =	sld [smem:$0x3FDB];
	s0 =	simm.s32 @p2 $0x1  }
0x17: {  	s4 =	simm.s32 $0x1BF5;
	[smem:$0x3FBB] =	sst s0  }
0x18: {  	s0 =	sld [smem:$0x3F9E];
	_ =	swait.ge [sflag:s4], $0x0  }
0x19: {  	s7 =	sld [smem:$0x3F9F]  }
0x1a: {  	s8 =	sadd.s32 $0xFFFFE003, lr  }
0x1b: {  	s9 =	sadd.s32 $0xFFFFFEF7, lr;
	s5 =	simm.s32 $0xFFFFFFFF;
	p2 =	slt.u32 s8, $0xFFFFF086  }
0x1c: {  	p1 =	slt.u32 s9, $0xF7A;
	s5 =	simm.s32 @!p2 $0x0  }
0x1d: {  	s5 =	simm.s32 @p1 $0x1;
	p0 =	seq.s32 s7, s2  }
0x1e: {  	s7 =	smul.u32 @!p0 $0xF7A, s2;
	p2 =	seq.s32 @!p0 s5, $0x0  }
0x1f: {  	s9 =	smul.u32 $0xF7A, s1;
	s8 =	simm.s32 @!p0 $0x1BF5;
	p2 =	por !p2, p0  }
0x20: {  	[sflag:s8] =	ssyncset.s32 @!p0 $0xFFFFF086;
	s6 =	sadd.s32 @!p0 s3, s7;
	s7 =	simm.s32 @!p0 $0x108  }
0x21: {  	s3 =	sadd.s32 s3, s9;
	s6 =	sadd.s32 @!p0 $0x88, s6;
	s7 =	simm.s32 @p2 $0x1082  }
0x22: {  	[simem:s7], [sflag:s8] =	dma.local @!p0 [hbm:s6], $0xF7A  }
0x23: {  	s9 =	sor.u32 $0xD0000000, s2;
	s6 =	simm.s32 $0x108;
	_ =	swait.ge @!p0 [sflag:s8], $0x0  }
0x24: {  	s3 =	sadd.s32 $0x88, s3;
	s6 =	simm.s32 @!p1 $0x1082;
	[sflag:s4] =	ssyncset.s32 $0xFFFFF086  }
0x25: {  	[simem:s6], [sflag:s4] =	dma.local [hbm:s3], $0xF7A  }
0x26: {  	[smem:$0x3F9F] =	sst s1;
	(tag) =	ssettag s2;
	_ =	strace s9  }
0x27: {  	s1 =	sld [smem:$0x3FAF]  }
0x28: {  	s2 =	sld [smem:$0x3FB0]  }
0x29: {  	s4 =	sld [smem:$0x3FB2]  }
0x2a: {  	p0 =	seq.s32 s5, $0x0;
	s5 =	sld [smem:$0x3FB3]  }
0x2b: {  	s6 =	sld [smem:$0x3FB4]  }
0x2c: {  	s7 =	sld [smem:$0x3FB5]  }
0x2d: {  	s3 =	simm.s32 $0x108;
	s8 =	sld [smem:$0x3FB6]  }
0x2e: {  	s3 =	simm.s32 @!p0 $0x1082;
	s9 =	sld [smem:$0x3FB7]  }
0x2f: {  	lr =	sadd.s32 s0, s3;
	s0 =	sld [smem:$0x3FAE]  }
0x30: {  	s3 =	sld [smem:$0x3FB1]  }
0x31: {  	[smem:$0x3FBA] =	sst s10  }
0x32: {  	s10 =	sld [smem:$0x3FB8];
	_ =	sdelay $0x3  }
0x33: {  	p0 =	seq.s32 s10, $0x1;
	s10 =	sld [smem:$0x3FBA];
	_ =	sdelay $0x3  }
0x34: {  	[smem:$0x3FBA] =	sst s10  }
0x35: {  	s10 =	sld [smem:$0x3FB9];
	_ =	sdelay $0x3  }
0x36: {  	p1 =	seq.s32 s10, $0x1;
	s10 =	sld [smem:$0x3FBA];
	_ =	sdelay $0x3  }
0x37: {  	[smem:$0x3FBA] =	sst s10  }
0x38: {  	s10 =	sld [smem:$0x3FBB]  }
0x39: {  	_ = 	snop;
	(pc) =	sbr.ind lr, $3  }
0x3a: {  	_ = 	snop  }
0x3b: {  	_ = 	snop  }
0x3c: {  	p2 =	seq.s32 s10, $0x1;
	s10 =	sld [smem:$0x3FBA]  }
0x3d: {  	_ =	shalt  }
0x3e: {  	_ =	shalt  }
0x3f: {  	_ =	shalt  }
0x40: {  	_ =	shalt  }
0x41: {  	_ =	shalt  }
0x42: {  	_ =	shalt  }
0x43: {  	_ =	shalt  }
0x44: {  	_ =	shalt  }
0x45: {  	_ =	shalt  }
0x46: {  	_ =	shalt  }
0x47: {  	_ =	shalt  }
0x48: {  	_ =	shalt  }
0x49: {  	_ =	shalt  }
0x4a: {  	_ =	shalt  }
0x4b: {  	_ =	shalt  }
0x4c: {  	_ =	shalt  }
0x4d: {  	_ =	shalt  }
0x4e: {  	_ =	shalt  }
0x4f: {  	_ =	shalt  }
0x50: {  	_ =	shalt  }
0x51: {  	_ =	shalt  }
0x52: {  	_ =	shalt  }
0x53: {  	_ =	shalt  }
0x54: {  	_ =	shalt  }
0x55: {  	_ =	shalt  }
0x56: {  	_ =	shalt  }
0x57: {  	_ =	shalt  }
0x58: {  	_ =	shalt  }
0x59: {  	_ =	shalt  }
0x5a: {  	_ =	shalt  }
0x5b: {  	_ =	shalt  }
0x5c: {  	_ =	shalt  }
0x5d: {  	_ =	shalt  }
0x5e: {  	_ =	shalt  }
0x5f: {  	_ =	shalt  }
0x60: {  	_ =	shalt  }
0x61: {  	_ =	shalt  }
0x62: {  	_ =	shalt  }
0x63: {  	_ =	shalt  }
0x64: {  	_ =	shalt  }
0x65: {  	_ =	shalt  }
0x66: {  	_ =	shalt  }
0x67: {  	_ =	shalt  }
0x68: {  	_ =	shalt  }
0x69: {  	_ =	shalt  }
0x6a: {  	_ =	shalt  }
0x6b: {  	_ =	shalt  }
0x6c: {  	_ =	shalt  }
0x6d: {  	_ =	shalt  }
0x6e: {  	_ =	shalt  }
0x6f: {  	_ =	shalt  }
0x70: {  	_ =	shalt  }
0x71: {  	_ =	shalt  }
0x72: {  	_ =	shalt  }
0x73: {  	_ =	shalt  }
0x74: {  	_ =	shalt  }
0x75: {  	_ =	shalt  }
0x76: {  	_ =	shalt  }
0x77: {  	_ =	shalt  }
0x78: {  	_ =	shalt  }
0x79: {  	_ =	shalt  }
0x7a: {  	_ =	shalt  }
0x7b: {  	_ =	shalt  }
0x7c: {  	_ =	shalt  }
0x7d: {  	_ =	shalt  }
0x7e: {  	_ =	shalt  }
0x7f: {  	_ =	shalt  }
0x80: {  	_ =	shalt  }
0x81: {  	_ =	shalt  }
0x82: {  	_ =	shalt  }
0x83: {  	_ =	shalt  }
0x84: {  	_ =	shalt  }
0x85: {  	_ =	shalt  }
0x86: {  	_ =	shalt  }
0x87: {  	_ =	shalt  }
.Lfunc_end0:
.L_simem_size_0:
called_computation_lowered:
.L_overlay_start_0:
0x88: {  	s2 =	sld [smem:$0x3FD9]  }
0x89: {  	s3 =	sld [smem:$0x3FFE];
	_ =	sdelay $0x1  }
0x8a: {  	s1 =	srdreg.scid  }
0x8b: {  	s0 =	sand.u32 $0x1, s1  }
0x8c: {  	s16 =	sshll.u32 s0, $0xA;
	s2 =	sadd.s32 s3, s2  }
0x8d: {  	s2 =	sadd.s32 s2, s16  }
0x8e: {  	[smem:$0x3FC6] =	sst s2  }
0x8f: {  	_ = 	snop  }
0x90: {  	(tm) =	ssettm $0x1  }
0x91: {  	s17 =	sld [smem:$0x3FFB];
	_ =	sdelay $0x3  }
0x92: {  	_ =	strace s17  }
0x93: {  	s2 =	sld [smem:$0x3FFC];
	_ =	sdelay $0x3  }
0x94: {  	_ =	strace s2  }
0x95: {  	s2 =	sld [smem:$0x3FFD];
	_ =	sdelay $0x3  }
0x96: {  	_ =	strace s2  }
0x97: {  	_ =	strace $0x8FFFFFFF  }
0x98: {  	s18 =	sld [smem:$0x3FDB];
	_ =	sdelay $0x1  }
0x99: {  	s19 =	simm.s32 $_scs_section_size  }
0x9a: {  	s4 =	simm.s32 $_size__tile_overlayer_lowered;
	s5 =	simm.s32 $_tile_overlayer_lowered  }
0x9b: {  	s22 =	simm.s32 $0x1BFF;
	s21 =	sshll.u32 s5, $0x1;
	s2 =	sadd.s32 s19, s18  }
0x9c: {  	s6 =	simm.s32 $0x0;
	s20 =	sshll.u32 s4, $0x1;
	s4 =	sadd.s32 s21, s2  }
0x9d: {  	[timem:s6], [sflag:s22] =	dma.local [hbm:s4], s20  }
0x9e: {  	_ =	swait.ge [sflag:s22], s20  }
0x9f: {  	s3 =	ssub.s32 $0x0, s20;
	[sflag:s22] =	ssyncset.done $0x0  }
0xa0: {  	[sflag:s22] =	ssyncadd.s32 s3;
	_ =	sdelay $0x1  }
0xa1: {  	s23 =	simm.s32 $0x1B8B  }
0xa2: {  	_ =	swait.ge [sflag:s23], $0x1  }
0xa3: {  	[sflag:s23] =	ssyncset.done $0x0  }
0xa4: {  	s25 =	simm.s32 $0x1B8E;
	s24 =	sld [smem:$0x3FFE];
	[sflag:s23] =	ssyncadd.s32 $0xFFFFFFFF  }
0xa5: {  	s26 =	simm.s32 $execute0_lowered;
	[smem:$0x3FD2] =	sst s25  }
0xa6: {  	s4 =	sshll.u32 s26, $0x1;
	_ =	strace $0x80000046;
	[dreg:$0x1] =	wrdreg $0xFFFFFFFF  }
0xa7: {  	s28 =	simm.s32 $_size_execute0_lowered;
	s2 =	sadd.s32 s2, s4;
	[dreg:$0x0] =	wrdreg $0x0  }
0xa8: {  	s4 =	sshll.u32 s28, $0x1;
	[dreg:$0x2] =	wrdreg s2  }
0xa9: {  	[dreg:$0x3] =	wrdreg s4  }
0xaa: {  	[dreg:$0x4] =	wrdreg $0xC0  }
0xab: {  	_ =	task [dreg:s6], $0x5FFFF  }
0xac: {  	[dreg:$0x1] =	wrdreg $0xFFFFFFFF  }
0xad: {  	[dreg:$0x0] =	wrdreg $0x60  }
0xae: {  	[dreg:$0x2] =	wrdreg s24  }
0xaf: {  	[dreg:$0x3] =	wrdreg $0x9  }
0xb0: {  	_ =	task.clear_ibuf [dreg:s6], $0x4FFFF;
	_ =	strace $0x90000046  }
0xb1: {  	s29 =	simm.s32 $0x9;
	_ =	strace $0x80000048  }
0xb2: {  	_ =	swait.ge [sflag:s29], $0x1  }
0xb3: {  	[sflag:s29] =	ssyncadd.s32 $0xFFFFFFFF  }
0xb4: {  	_ =	strace $0x90000048  }
0xb5: {  	_ =	sfence  }
0xb6: {  	s30 =	sld [smem:$0x0];
	_ =	sdelay $0x2  }
0xb7: {  	s31 =	sshll.u32 s1, $0xD;
	s1 =	sshrl.u32 s1, $0x2  }
0xb8: {  	s3 =	sand.u32 $0x4000, s31;
	s1 =	sadd.s32 s1, s30  }
0xb9: {  	s0 =	sor.u32 s3, s0;
	s1 =	sshll.u32 s1, $0x11  }
0xba: {  	s0 =	sor.u32 s1, s0  }
0xbb: {  	s0 =	sadd.s32 $0x8F2B, s0  }
0xbc: {  	[sflag:s0] =	ssyncadd.remote.s32 $0x1  }
0xbd: {  	_ =	sfence.sel $0xFFFF  }
0xbe: {  	[dreg:$0x0] =	wrdreg $0xFFFFFFFF;
	(pc) =	sbr.abs _section_cstart, $3  }
0xbf: {  	[dreg:$0x1] =	wrdreg $0xFFFFFFFF  }
0xc0: {  	_ =	task.clear_ibuf [dreg:s6], $0x2FFFF;
	_ =	strace $0x9FFFFFFF  }
0xc1: {  	(tm) =	ssettm $0x7FFFFFFF  }
tec
execute0_lowered:
.L_overlay_start_1:
0x0: {  	(tag) =	ssettag $0x1  }
0x1: {  	s3 =	rddreg [dreg:$0x0]  }
0x2: {  	s0 =	rddreg [dreg:$0x1];
	s2 =	simm.s32 $0x0;
	s4 =	srdreg.scid  }
0x3: {  	s1 =	stileid.u32;
	s8 =	simm.s32 $0x4000;
	s9 =	simm.s32 $0x4800  }
0x4: {  	[smem:$0x7FF] =	sst s2;
	s4 =	sand.u32 $0x1, s4;
	s5 =	sshll.u32 s1, $0x1  }
0x5: {  	s10 =	simm.s32 $0x0;
	_ =	strace $0x80000047;
	s5 =	sor.u32 s4, s5  }
0x6: {  	s4 =	ssub.s32 $0x2, s4;
	s6 =	sshll.u32 s5, $0xB;
	s5 =	sshll.u32 s5, $0x8  }
0x7: {  	s31 =	sshrl.u32 s4, $0x1;
	s6 =	sadd.s32 s6, s3;
	s5 =	sadd.s32 s5, s3  }
0x8: {  	v0 =	vimm.s32 $0x0;
	s7 =	ssub.s32 s4, s31;
	s3 =	sadd.s32 $0x10E00, s5;
	s4 =	sadd.s32 $0x12E00, s5  }
0x9: {  	v1 =	vimm.f32 $0.0e+00;
	v2 =	vimm.s32 $0x1;
	v3 =	vlaneseq.u32;
	s5 =	smax.u32 s7, $0x1;
	s6 =	sadd.s32 $0xE00, s6;
	s7 =	simm.s32 $0x1  }
.LBB2_1:
0xa: {  	[tilespmem:s2], [sflag:$0x1] =	stream.linear.gather [hbm4b:s6+s2], $0x4000, $0x38;
	[tilespmem:$0x5000] =	vst v63  }
0xb: {  	_ =	swait.ge [sflag:s7], $0x4000  }
0xc: {  	[sflag:s7] =	ssyncset.done $0x0  }
0xd: {  	[sflag:s7] =	ssyncadd.s32 $0xFFFFC000  }
0xe: {  	[tilespmem:$0x4000] =	vst v0  }
0xf: {  	[tilespmem:$0x4800] =	vst v1  }
0x10: {  	[tilespmem:$0x4080] =	vst v0  }
0x11: {  	[tilespmem:$0x4880] =	vst v1  }
0x12: {  	[tilespmem:$0x4100] =	vst v0  }
0x13: {  	[tilespmem:$0x4900] =	vst v1  }
0x14: {  	[tilespmem:$0x4180] =	vst v0  }
0x15: {  	[tilespmem:$0x4980] =	vst v1  }
0x16: {  	[tilespmem:$0x4200] =	vst v0  }
0x17: {  	[tilespmem:$0x4A00] =	vst v1  }
0x18: {  	[tilespmem:$0x4280] =	vst v0  }
0x19: {  	[tilespmem:$0x4A80] =	vst v1  }
0x1a: {  	[tilespmem:$0x4300] =	vst v0  }
0x1b: {  	[tilespmem:$0x4B00] =	vst v1  }
0x1c: {  	[tilespmem:$0x4380] =	vst v0  }
0x1d: {  	[tilespmem:$0x4B80] =	vst v1  }
0x1e: {  	[tilespmem:$0x4400] =	vst v0  }
0x1f: {  	[tilespmem:$0x4C00] =	vst v1  }
0x20: {  	[tilespmem:$0x4480] =	vst v0  }
0x21: {  	[tilespmem:$0x4C80] =	vst v1  }
0x22: {  	[tilespmem:$0x4500] =	vst v0  }
0x23: {  	[tilespmem:$0x4D00] =	vst v1  }
0x24: {  	[tilespmem:$0x4580] =	vst v0  }
0x25: {  	[tilespmem:$0x4D80] =	vst v1  }
0x26: {  	[tilespmem:$0x4600] =	vst v0  }
0x27: {  	[tilespmem:$0x4E00] =	vst v1  }
0x28: {  	[tilespmem:$0x4680] =	vst v0  }
0x29: {  	[tilespmem:$0x4E80] =	vst v1  }
0x2a: {  	[tilespmem:$0x4700] =	vst v0  }
0x2b: {  	[tilespmem:$0x4F00] =	vst v1  }
0x2c: {  	[tilespmem:$0x4780] =	vst v0  }
0x2d: {  	s11 =	simm.s32 $0xFFFFFFF8;
	s12 =	simm.s32 $0x40;
	[tilespmem:$0x4F80] =	vst v1  }
.LBB2_2:
0x2e: {  	v4 =	vld [tilespmem:s12+$0xFFFFFFC0];
	_ =	sdelay $0x4  }
0x2f: {  	v5 =	vand.u32 $0x7FFFFFFF, v4  }
0x30: {  	v6 =	vmul.f32 $1.500000000e+01, v5;
	_ =	sdelay $0x1  }
0x31: {  	v7 =	vtrunc.f32 v6  }
0x32: {  	v8 =	vcvt.f32.s32 v7;
	vm0 =	veq.f32 v6, v7  }
0x33: {  	v6 =	vsel vm0, $0xFFFFFFFF, v0  }
0x34: {  	v6 =	vadd.s32 v8, v6  }
0x35: {  	v6 =	vshll.u32 v6, $0x7  }
0x36: {  	v6 =	vor.u32 v3, v6;
	_ =	sdelay $0x2  }
0x37: {  	vm13 =	vgt.f32 v4, $0.0e+00  }
0x38: {  	v4 =	vsel vm13, $0x1001, v2  }
0x39: {  	[tilespmem:v6+s8+$0x0] =	vst.idx.add.s32.msk $0xffff, v4  }
0x3a: {  	[tilespmem:v6+s9+$0x0] =	vst.idx.add.f32.msk $0xffff, v5  }
0x3b: {  	v4 =	vld [tilespmem:s12+$0xFFFFFFD0];
	_ =	sdelay $0x4  }
0x3c: {  	v5 =	vand.u32 $0x7FFFFFFF, v4  }
0x3d: {  	v43 =	vmul.f32 $1.500000000e+01, v5;
	_ =	sdelay $0x1  }
0x3e: {  	v44 =	vtrunc.f32 v43  }
0x3f: {  	v45 =	vcvt.f32.s32 v44;
	vm14 =	veq.f32 v43, v44  }
0x40: {  	v6 =	vsel vm14, $0xFFFFFFFF, v0  }
0x41: {  	v6 =	vadd.s32 v45, v6  }
0x42: {  	v6 =	vshll.u32 v6, $0x7  }
0x43: {  	v6 =	vor.u32 v3, v6;
	_ =	sdelay $0x2  }
0x44: {  	vm15 =	vgt.f32 v4, $0.0e+00  }
0x45: {  	v4 =	vsel vm15, $0x1001, v2  }
0x46: {  	[tilespmem:v6+s8+$0x0] =	vst.idx.add.s32.msk $0xffff, v4  }
0x47: {  	[tilespmem:v6+s9+$0x0] =	vst.idx.add.f32.msk $0xffff, v5  }
0x48: {  	v4 =	vld [tilespmem:s12+$0xFFFFFFE0];
	_ =	sdelay $0x4  }
0x49: {  	v5 =	vand.u32 $0x7FFFFFFF, v4  }
0x4a: {  	v46 =	vmul.f32 $1.500000000e+01, v5;
	_ =	sdelay $0x1  }
0x4b: {  	v47 =	vtrunc.f32 v46  }
0x4c: {  	v48 =	vcvt.f32.s32 v47;
	vm4 =	veq.f32 v46, v47  }
0x4d: {  	v6 =	vsel vm4, $0xFFFFFFFF, v0  }
0x4e: {  	v6 =	vadd.s32 v48, v6  }
0x4f: {  	v6 =	vshll.u32 v6, $0x7  }
0x50: {  	v6 =	vor.u32 v3, v6;
	_ =	sdelay $0x2  }
0x51: {  	vm5 =	vgt.f32 v4, $0.0e+00  }
0x52: {  	v4 =	vsel vm5, $0x1001, v2  }
0x53: {  	[tilespmem:v6+s8+$0x0] =	vst.idx.add.s32.msk $0xffff, v4  }
0x54: {  	[tilespmem:v6+s9+$0x0] =	vst.idx.add.f32.msk $0xffff, v5  }
0x55: {  	v4 =	vld [tilespmem:s12+$0xFFFFFFF0];
	_ =	sdelay $0x4  }
0x56: {  	v5 =	vand.u32 $0x7FFFFFFF, v4  }
0x57: {  	v49 =	vmul.f32 $1.500000000e+01, v5;
	_ =	sdelay $0x1  }
0x58: {  	v50 =	vtrunc.f32 v49  }
0x59: {  	v51 =	vcvt.f32.s32 v50;
	vm6 =	veq.f32 v49, v50  }
0x5a: {  	v6 =	vsel vm6, $0xFFFFFFFF, v0  }
0x5b: {  	v6 =	vadd.s32 v51, v6  }
0x5c: {  	v6 =	vshll.u32 v6, $0x7  }
0x5d: {  	v6 =	vor.u32 v3, v6;
	_ =	sdelay $0x2  }
0x5e: {  	vm7 =	vgt.f32 v4, $0.0e+00  }
0x5f: {  	v4 =	vsel vm7, $0x1001, v2  }
0x60: {  	[tilespmem:v6+s8+$0x0] =	vst.idx.add.s32.msk $0xffff, v4  }
0x61: {  	[tilespmem:v6+s9+$0x0] =	vst.idx.add.f32.msk $0xffff, v5  }
0x62: {  	v4 =	vld [tilespmem:s12+$0x0];
	_ =	sdelay $0x4  }
0x63: {  	v5 =	vand.u32 $0x7FFFFFFF, v4  }
0x64: {  	v52 =	vmul.f32 $1.500000000e+01, v5;
	_ =	sdelay $0x1  }
0x65: {  	v53 =	vtrunc.f32 v52  }
0x66: {  	v54 =	vcvt.f32.s32 v53;
	vm8 =	veq.f32 v52, v53  }
0x67: {  	v6 =	vsel vm8, $0xFFFFFFFF, v0  }
0x68: {  	v6 =	vadd.s32 v54, v6  }
0x69: {  	v6 =	vshll.u32 v6, $0x7  }
0x6a: {  	v6 =	vor.u32 v3, v6;
	_ =	sdelay $0x2  }
0x6b: {  	vm9 =	vgt.f32 v4, $0.0e+00  }
0x6c: {  	v4 =	vsel vm9, $0x1001, v2  }
0x6d: {  	[tilespmem:v6+s8+$0x0] =	vst.idx.add.s32.msk $0xffff, v4  }
0x6e: {  	[tilespmem:v6+s9+$0x0] =	vst.idx.add.f32.msk $0xffff, v5  }
0x6f: {  	v4 =	vld [tilespmem:s12+$0x10];
	_ =	sdelay $0x4  }
0x70: {  	v5 =	vand.u32 $0x7FFFFFFF, v4  }
0x71: {  	v55 =	vmul.f32 $1.500000000e+01, v5;
	_ =	sdelay $0x1  }
0x72: {  	v56 =	vtrunc.f32 v55  }
0x73: {  	v57 =	vcvt.f32.s32 v56;
	vm10 =	veq.f32 v55, v56  }
0x74: {  	v6 =	vsel vm10, $0xFFFFFFFF, v0  }
0x75: {  	v6 =	vadd.s32 v57, v6  }
0x76: {  	v6 =	vshll.u32 v6, $0x7  }
0x77: {  	v6 =	vor.u32 v3, v6;
	_ =	sdelay $0x2  }
0x78: {  	vm11 =	vgt.f32 v4, $0.0e+00  }
0x79: {  	v4 =	vsel vm11, $0x1001, v2  }
0x7a: {  	[tilespmem:v6+s8+$0x0] =	vst.idx.add.s32.msk $0xffff, v4  }
0x7b: {  	[tilespmem:v6+s9+$0x0] =	vst.idx.add.f32.msk $0xffff, v5  }
0x7c: {  	v4 =	vld [tilespmem:s12+$0x20];
	_ =	sdelay $0x4  }
0x7d: {  	v5 =	vand.u32 $0x7FFFFFFF, v4  }
0x7e: {  	v58 =	vmul.f32 $1.500000000e+01, v5;
	_ =	sdelay $0x1  }
0x7f: {  	v59 =	vtrunc.f32 v58  }
0x80: {  	v60 =	vcvt.f32.s32 v59;
	vm12 =	veq.f32 v58, v59  }
0x81: {  	v6 =	vsel vm12, $0xFFFFFFFF, v0  }
0x82: {  	v6 =	vadd.s32 v60, v6  }
0x83: {  	v6 =	vshll.u32 v6, $0x7  }
0x84: {  	v6 =	vor.u32 v3, v6;
	_ =	sdelay $0x2  }
0x85: {  	vm13 =	vgt.f32 v4, $0.0e+00  }
0x86: {  	v4 =	vsel vm13, $0x1001, v2  }
0x87: {  	[tilespmem:v6+s8+$0x0] =	vst.idx.add.s32.msk $0xffff, v4  }
0x88: {  	[tilespmem:v6+s9+$0x0] =	vst.idx.add.f32.msk $0xffff, v5  }
0x89: {  	v4 =	vld [tilespmem:s12+$0x30];
	_ =	sdelay $0x4  }
0x8a: {  	v5 =	vand.u32 $0x7FFFFFFF, v4  }
0x8b: {  	v61 =	vmul.f32 $1.500000000e+01, v5;
	_ =	sdelay $0x1  }
0x8c: {  	v62 =	vtrunc.f32 v61  }
0x8d: {  	v63 =	vcvt.f32.s32 v62;
	vm14 =	veq.f32 v61, v62  }
0x8e: {  	v6 =	vsel vm14, $0xFFFFFFFF, v0  }
0x8f: {  	v6 =	vadd.s32 v63, v6  }
0x90: {  	v6 =	vshll.u32 v6, $0x7  }
0x91: {  	s11 =	sadd.s32 $0x8, s11;
	v6 =	vor.u32 v3, v6  }
0x92: {  	p0 =	slt.u32 s11, $0x3F8  }
.Ltmp0:
0x93: {  	_ = 	snop;
	(pc) =	sbr.rel @p0 .LBB2_2-.Ltmp0, $4  }
0x94: {  	vm15 =	vgt.f32 v4, $0.0e+00  }
0x95: {  	v4 =	vsel vm15, $0x1001, v2  }
0x96: {  	[tilespmem:v6+s8+$0x0] =	vst.idx.add.s32.msk $0xffff, v4  }
0x97: {  	s12 =	sadd.s32 $0x80, s12;
	[tilespmem:v6+s9+$0x0] =	vst.idx.add.f32.msk $0xffff, v5  }
0x98: {  	[hbm4b:s3+s2] =	stream.linear.scatter [tilespmem:s8], [sflag:$0x1], $0x800, $0x38;
	[tilespmem:$0x5000] =	vst v63  }
0x99: {  	s10 =	sadd.s32 $0x1, s10;
	_ =	swait.ge [sflag:s7], $0x800  }
0x9a: {  	p0 =	sne.s32 s10, s5;
	[sflag:s7] =	ssyncset.done $0x0  }
.Ltmp1:
0x9b: {  	[sflag:s7] =	ssyncadd.s32 $0xFFFFF800;
	(pc) =	sbr.rel @p0 .LBB2_1-.Ltmp1, $4  }
0x9c: {  	[hbm4b:s4+s2] =	stream.linear.scatter [tilespmem:s9], [sflag:$0x1], $0x800, $0x38;
	[tilespmem:$0x5000] =	vst v63  }
0x9d: {  	_ =	swait.ge [sflag:s7], $0x800  }
0x9e: {  	[sflag:s7] =	ssyncset.done $0x0  }
0x9f: {  	[sflag:s7] =	ssyncadd.s32 $0xFFFFF800  }
0xa0: {  	_ =	sfence.sel $0x180000  }
0xa1: {  	[bflag:$0x0] =	sbarrier.arrive $0xFFFF  }
0xa2: {  	p0 =	sne.s32 s1, $0x0;
	_ =	strace $0x90000047  }
0xa3: {  	s0 =	sadd.s32 @!p0 $0x100000, s0;
	[bflag:$0x2] =	sbarrier.arrive $0xFFFF  }
0xa4: {  	[sflag:s0] =	ssyncadd.tile.s32 @!p0 $0x1;
	_ =	shalt  }
.Lfunc_end2:
_tile_overlayer_lowered:
.L_overlay_start_2:
0xa5: {  	(tag) =	ssettag $0x2  }
0xa6: {  	s0 =	rddreg [dreg:$0x0];
	s2 =	stileid.u32  }
0xa7: {  	s1 =	rddreg [dreg:$0x1];
	p0 =	sne.s32 s2, $0x0  }
0xa8: {  	s3 =	rddreg [dreg:$0x2];
	[bflag:$0x3] =	sbarrier.arrive $0xFFFF;
	s2 =	simm.s32 @!p0 $0x1C01  }
0xa9: {  	[timem:s3], [sflag:s2] =	dma.local @!p0 [hbm:s0], s1  }
0xaa: {  	s0 =	simm.s32 @!p0 $0x1  }
0xab: {  	_ =	swait.ge @!p0 [sflag:s0], s1  }
0xac: {  	s1 =	ssub.s32 @!p0 $0x0, s1;
	[sflag:s0] =	ssyncset.done @!p0 $0x0  }
0xad: {  	[sflag:s0] =	ssyncadd.s32 @!p0 s1  }
0xae: {  	[bflag:$0x3] =	sbarrier.arrive $0xFFFF  }
0xaf: {  	_ =	shalt  }

</sc_bundles>
